<compile_context>
chip_gen: v7x
topology: tpu7x:2x2x1
jax: 0.10.2.dev20260603
libtpu: 0.0.44.dev20260713+nightly
codegen_flags: <defaults>
</compile_context>

<pallas_src>
import functools

import jax
import jax.numpy as jnp
from jax import lax
from jax.experimental import pallas as pl
from jax.experimental.pallas import tpu as pltpu
from jax.experimental.pallas import tpu_sc as plsc

N_NODES = 10000
N_EDGES = 320000
D_IN = 128
D_HID = 128
D_OUT = 64
DH = 64

NP = 10240
K = 128
CH = 80
CH1 = 160
EP = 32 * CH * K
RPT = NP // 16
NB = 2



def _tc1_body(x_ref, wr_ref, wt_ref, b_ref, y_ref, r_ref):
    xb = x_ref[...]
    y = jnp.dot(xb, wr_ref[...], preferred_element_type=jnp.float32)
    r = 0.5 * (jnp.dot(xb, wt_ref[...], preferred_element_type=jnp.float32)
               + b_ref[...])
    y_ref[0] = y[:, :DH]
    y_ref[1] = y[:, DH:]
    r_ref[0] = r[:, :DH]
    r_ref[1] = r[:, DH:]


def _tc2_body(pa_ref, pb_ref, wr_ref, wt_ref, b_ref, y_ref, r_ref):
    h = jnp.maximum(jnp.concatenate([pa_ref[0] + pa_ref[1],
                                     pb_ref[0] + pb_ref[1]], axis=1), 0.0)
    y_ref[...] = jnp.dot(h, wr_ref[...], preferred_element_type=jnp.float32)
    r_ref[...] = 0.5 * (
        jnp.dot(h, wt_ref[...], preferred_element_type=jnp.float32)
        + b_ref[...]
    )


def _tc3_body(q_ref, z_ref):
    z_ref[...] = q_ref[0] + q_ref[1]


_BM = 512


def _tc1(x_pad, w_rel, w_root, b):
    grid = (NP // _BM,)
    return pl.pallas_call(
        _tc1_body,
        grid=grid,
        in_specs=[
            pl.BlockSpec((_BM, D_IN), lambda i: (i, 0)),
            pl.BlockSpec((D_IN, D_HID), lambda i: (0, 0)),
            pl.BlockSpec((D_IN, D_HID), lambda i: (0, 0)),
            pl.BlockSpec((1, D_HID), lambda i: (0, 0)),
        ],
        out_specs=[pl.BlockSpec((2, _BM, DH), lambda i: (0, i, 0))] * 2,
        out_shape=[jax.ShapeDtypeStruct((2, NP, DH), jnp.float32)] * 2,
    )(x_pad, w_rel, w_root, b.reshape(1, -1))


def _tc2(pa, pb, w_rel, w_root, b):
    grid = (NP // _BM,)
    oshape = jax.ShapeDtypeStruct((NP, D_OUT), jnp.float32)
    return pl.pallas_call(
        _tc2_body,
        grid=grid,
        in_specs=[
            pl.BlockSpec((2, _BM, DH), lambda i: (0, i, 0)),
            pl.BlockSpec((2, _BM, DH), lambda i: (0, i, 0)),
            pl.BlockSpec((D_HID, D_OUT), lambda i: (0, 0)),
            pl.BlockSpec((D_HID, D_OUT), lambda i: (0, 0)),
            pl.BlockSpec((1, D_OUT), lambda i: (0, 0)),
        ],
        out_specs=[pl.BlockSpec((_BM, D_OUT), lambda i: (i, 0))] * 2,
        out_shape=[oshape, oshape],
    )(pa, pb, w_rel, w_root, b.reshape(1, -1))


_BM3 = 2000


def _tc3(q):
    return pl.pallas_call(
        _tc3_body,
        grid=(N_NODES // _BM3,),
        in_specs=[pl.BlockSpec((2, _BM3, D_OUT), lambda i: (0, i, 0))],
        out_specs=pl.BlockSpec((_BM3, D_OUT), lambda i: (i, 0)),
        out_shape=jax.ShapeDtypeStruct((N_NODES, D_OUT), jnp.float32),
    )(q)



def _sc_pipeline(ytab_sh, acc_sh, src_v, dst_v, rows_v, gsem, ch, nb):
    for b in range(nb):
        pltpu.async_copy(ytab_sh.at[src_v.at[b]], rows_v[b], gsem.at[b])

    def round_body(r, carry):
        for b in range(nb):
            g = r * nb + b
            pltpu.make_async_copy(
                ytab_sh.at[src_v.at[g]], rows_v[b], gsem.at[b]).wait()
            pltpu.sync_copy(rows_v[b], acc_sh.at[dst_v.at[g]], add=True)

            @pl.when(g + nb < ch)
            def _():
                pltpu.async_copy(
                    ytab_sh.at[src_v.at[g + nb]], rows_v[b], gsem.at[b])
        return carry

    lax.fori_loop(0, ch // nb, round_body, 0)


def _mesh():
    return plsc.VectorSubcoreMesh(core_axis_name="c", subcore_axis_name="s",
                                  num_cores=2, num_subcores=16)


def _sc_scratch(ch, nb):
    return [
        pltpu.VMEM((ch, K), jnp.int32),
        pltpu.VMEM((ch, K), jnp.int32),
        [pltpu.VMEM((K, DH), jnp.float32) for _ in range(nb)],
        pltpu.VMEM_SHARED((NP, DH), jnp.float32),
        pltpu.VMEM_SHARED((NP, DH), jnp.float32),
        pltpu.SemaphoreType.DMA((nb,)),
    ]


def _make_sc(half):

    @functools.partial(
        pl.kernel,
        out_type=jax.ShapeDtypeStruct((2, NP, DH), jnp.float32),
        mesh=_mesh(),
        scratch_types=_sc_scratch(CH, NB),
        compiler_params=pltpu.CompilerParams(use_tc_tiling_on_sc=False),
    )
    def sc_fn(y_hbm, r_hbm, src_hbm, dst_hbm, out_hbm,
              src_v, dst_v, rows_v, acc_sh, ytab_sh, gsem):
        c = lax.axis_index("c")
        s = lax.axis_index("s")
        r0 = s * RPT
        y_src = y_hbm if half is None else y_hbm.at[half]
        r_src = r_hbm if half is None else r_hbm.at[half]
        pltpu.sync_copy(r_src.at[pl.ds(r0, RPT)], acc_sh.at[pl.ds(r0, RPT)])
        pltpu.sync_copy(y_src.at[pl.ds(r0, RPT)], ytab_sh.at[pl.ds(r0, RPT)])
        ebase = (c * 16 + s) * CH
        pltpu.sync_copy(src_hbm.at[pl.ds(ebase, CH)], src_v)
        pltpu.sync_copy(dst_hbm.at[pl.ds(ebase, CH)], dst_v)
        plsc.subcore_barrier()
        _sc_pipeline(ytab_sh, acc_sh, src_v, dst_v, rows_v, gsem, CH, NB)
        plsc.subcore_barrier()
        pltpu.sync_copy(acc_sh.at[pl.ds(r0, RPT)],
                        out_hbm.at[c].at[pl.ds(r0, RPT)])

    return sc_fn


_make_sc = functools.lru_cache(maxsize=None)(_make_sc)



def kernel(x, edge_index, W1_rel, W1_root, b1, W2_rel, W2_root, b2):
    pad = jnp.full((EP - N_EDGES,), NP - 1, jnp.int32)
    srcp = jnp.concatenate([edge_index[0], pad]).reshape(EP // K, K)
    dstp = jnp.concatenate([edge_index[1], pad]).reshape(EP // K, K)

    y1, r1 = _tc1(x, W1_rel, W1_root, b1)
    pa = _make_sc(0)(y1, r1, srcp, dstp)
    pb = _make_sc(1)(y1, r1, srcp, dstp)
    y2, r2h = _tc2(pa, pb, W2_rel, W2_root, b2)
    p2 = _make_sc(None)(y2, r2h, srcp, dstp)
    return _tc3(p2)

# --- scband reference (transcript-rebuilt; emitter-appended) ---
"""Pipeline reference for scband-net-55714315763758 (READ-ONLY COPY).

The authoritative reference and input builder live on the scoring server;
editing this copy changes nothing except your own understanding.
"""

import jax, jax.numpy as jnp
import numpy as np

N_NODES = 10000
N_EDGES = 320000
D_IN = 128
D_HID = 128
D_OUT = 64


def setup_inputs(seed: int = 0) -> dict:
    key = jax.random.key(seed)
    ks = jax.random.split(key, 8)
    x = jax.random.normal(ks[0], (N_NODES, D_IN), dtype=jnp.float32)
    edge_index = jax.random.randint(ks[1], (2, N_EDGES), 0, N_NODES, dtype=jnp.int64 if jax.config.read('jax_enable_x64') else jnp.int32).astype(jnp.int32)
    # GraphConv layer 1 params (lin_rel acts on aggregated msgs, lin_root on x)
    s1 = 1.0 / np.sqrt(D_IN)
    W1_rel = jax.random.uniform(ks[2], (D_IN, D_HID), minval=-s1, maxval=s1, dtype=jnp.float32)
    W1_root = jax.random.uniform(ks[3], (D_IN, D_HID), minval=-s1, maxval=s1, dtype=jnp.float32)
    b1 = jnp.zeros((D_HID,), dtype=jnp.float32)
    # GraphConv layer 2 params
    s2 = 1.0 / np.sqrt(D_HID)
    W2_rel = jax.random.uniform(ks[4], (D_HID, D_OUT), minval=-s2, maxval=s2, dtype=jnp.float32)
    W2_root = jax.random.uniform(ks[5], (D_HID, D_OUT), minval=-s2, maxval=s2, dtype=jnp.float32)
    b2 = jnp.zeros((D_OUT,), dtype=jnp.float32)
    return {"x": x, "edge_index": edge_index, "W1_rel": W1_rel, "W1_root": W1_root, "b1": b1, "W2_rel": W2_rel, "W2_root": W2_root, "b2": b2}


def _graph_conv(x, src, dst, W_rel, W_root, b, n_nodes):
    # message = x[src]; aggregate = scatter-add onto dst (PyG GraphConv, aggr='add')
    msgs = jnp.take(x, src, axis=0)
    agg = jax.ops.segment_sum(msgs, dst, num_segments=n_nodes)
    return agg @ W_rel + x @ W_root + b


def reference(x, edge_index, W1_rel, W1_root, b1, W2_rel, W2_root, b2):
    src = edge_index[0]
    dst = edge_index[1]
    n = x.shape[0]
    h = _graph_conv(x, src, dst, W1_rel, W1_root, b1, n)
    h = jax.nn.relu(h)
    z = _graph_conv(h, src, dst, W2_rel, W2_root, b2, n)
    return z

if __name__ == "__main__":
    import jax
    _d = setup_inputs()
    print(jax.jit(kernel)(*tuple(_d.values())))

</pallas_src>

<mosaic_0001>
#map = affine_map<(d0, d1) -> (0, 0, 0)>
#map1 = affine_map<(d0, d1) -> (0, 0)>
module attributes {stable_mosaic.version = 14 : i64} {
  func.func @sc_fn(%arg0: i32, %arg1: i32, %arg2: memref<2x10240x64xf32, #tpu.memory_space<hbm>>, %arg3: memref<2x10240x64xf32, #tpu.memory_space<hbm>>, %arg4: memref<2560x128xi32, #tpu.memory_space<hbm>>, %arg5: memref<2560x128xi32, #tpu.memory_space<hbm>>, %arg6: memref<2x10240x64xf32, #tpu.memory_space<hbm>>, %arg7: memref<80x128xi32, #tpu.memory_space<vmem>>, %arg8: memref<80x128xi32, #tpu.memory_space<vmem>>, %arg9: memref<128x64xf32, #tpu.memory_space<vmem>>, %arg10: memref<128x64xf32, #tpu.memory_space<vmem>>, %arg11: memref<10240x64xf32, #tpu.memory_space<vmem_shared>>, %arg12: memref<10240x64xf32, #tpu.memory_space<vmem_shared>>, %arg13: memref<2x!tpu.dma_semaphore, #tpu.memory_space<semaphore_mem>>) attributes {dimension_semantics = [#tpu.dimension_semantics<core_parallel>, #tpu.dimension_semantics<subcore_parallel>], iteration_bounds = array<i64: 2, 16>, scalar_prefetch = 0 : i64, scratch_operands = 7 : i64, tpu.core_type = #tpu.core_type<sc_vector_subcore>, window_params = [{transform_indices = #map}, {transform_indices = #map}, {transform_indices = #map1}, {transform_indices = #map1}, {transform_indices = #map}]} {
    %mul3A = arith.constant 640 : i32
    %mul3A_0 = arith.muli %arg1, %mul3A : i32
    %run_scoped3A = arith.constant 0 : i32
    "tpu.region"() ({
      %run_scoped3A_31 = tpu.sem_alloc : memref<!tpu.dma_semaphore, #tpu.memory_space<semaphore_mem>>
      %dma_start3A_32 = arith.constant 0 : i32
      %dma_start3A_33 = tpu.memref_slice %arg11[%mul3A_0, %dma_start3A_32] : memref<10240x64xf32, #tpu.memory_space<vmem_shared>> -> memref<640x64xf32, #tpu.memory_space<vmem_shared>>
      %dma_start3A_34 = arith.constant 0 : i32
      %dma_start3A_35 = arith.constant 0 : i32
      %dma_start3A_36 = tpu.memref_slice %arg3[%run_scoped3A, %dma_start3A_34, %dma_start3A_35] : memref<2x10240x64xf32, #tpu.memory_space<hbm>> -> memref<1x10240x64xf32, #tpu.memory_space<hbm>>
      %dma_start3A_37 = tpu.memref_squeeze %dma_start3A_36 : memref<1x10240x64xf32, #tpu.memory_space<hbm>> -> memref<10240x64xf32, #tpu.memory_space<hbm>>
      %dma_start3A_38 = arith.constant 0 : i32
      %dma_start3A_39 = tpu.memref_slice %dma_start3A_37[%mul3A_0, %dma_start3A_38] : memref<10240x64xf32, #tpu.memory_space<hbm>> -> memref<640x64xf32, #tpu.memory_space<hbm>>
      tpu.enqueue_dma source(%dma_start3A_39 : memref<640x64xf32, #tpu.memory_space<hbm>>) target(%dma_start3A_33 : memref<640x64xf32, #tpu.memory_space<vmem_shared>>) target_semaphore(%run_scoped3A_31 : memref<!tpu.dma_semaphore, #tpu.memory_space<semaphore_mem>>)
      %dma_wait3A = arith.constant 0 : i32
      %dma_wait3A_40 = tpu.memref_slice %arg11[%mul3A_0, %dma_wait3A] : memref<10240x64xf32, #tpu.memory_space<vmem_shared>> -> memref<640x64xf32, #tpu.memory_space<vmem_shared>>
      %dma_wait3A_41 = arith.constant 0 : i32
      %dma_wait3A_42 = arith.constant 0 : i32
      %dma_wait3A_43 = tpu.memref_slice %arg3[%run_scoped3A, %dma_wait3A_41, %dma_wait3A_42] : memref<2x10240x64xf32, #tpu.memory_space<hbm>> -> memref<1x10240x64xf32, #tpu.memory_space<hbm>>
      %dma_wait3A_44 = tpu.memref_squeeze %dma_wait3A_43 : memref<1x10240x64xf32, #tpu.memory_space<hbm>> -> memref<10240x64xf32, #tpu.memory_space<hbm>>
      %dma_wait3A_45 = arith.constant 0 : i32
      %dma_wait3A_46 = tpu.memref_slice %dma_wait3A_44[%mul3A_0, %dma_wait3A_45] : memref<10240x64xf32, #tpu.memory_space<hbm>> -> memref<640x64xf32, #tpu.memory_space<hbm>>
      tpu.wait_dma2 semaphore(%run_scoped3A_31 : memref<!tpu.dma_semaphore, #tpu.memory_space<semaphore_mem>>) src(%dma_wait3A_46 : memref<640x64xf32, #tpu.memory_space<hbm>>) dst(%dma_wait3A_40 : memref<640x64xf32, #tpu.memory_space<vmem_shared>>)
      tpu.yield
    }) : () -> ()
    %run_scoped3A_1 = arith.constant 0 : i32
    "tpu.region"() ({
      %run_scoped3A_31 = tpu.sem_alloc : memref<!tpu.dma_semaphore, #tpu.memory_space<semaphore_mem>>
      %dma_start3A_32 = arith.constant 0 : i32
      %dma_start3A_33 = tpu.memref_slice %arg12[%mul3A_0, %dma_start3A_32] : memref<10240x64xf32, #tpu.memory_space<vmem_shared>> -> memref<640x64xf32, #tpu.memory_space<vmem_shared>>
      %dma_start3A_34 = arith.constant 0 : i32
      %dma_start3A_35 = arith.constant 0 : i32
      %dma_start3A_36 = tpu.memref_slice %arg2[%run_scoped3A_1, %dma_start3A_34, %dma_start3A_35] : memref<2x10240x64xf32, #tpu.memory_space<hbm>> -> memref<1x10240x64xf32, #tpu.memory_space<hbm>>
      %dma_start3A_37 = tpu.memref_squeeze %dma_start3A_36 : memref<1x10240x64xf32, #tpu.memory_space<hbm>> -> memref<10240x64xf32, #tpu.memory_space<hbm>>
      %dma_start3A_38 = arith.constant 0 : i32
      %dma_start3A_39 = tpu.memref_slice %dma_start3A_37[%mul3A_0, %dma_start3A_38] : memref<10240x64xf32, #tpu.memory_space<hbm>> -> memref<640x64xf32, #tpu.memory_space<hbm>>
      tpu.enqueue_dma source(%dma_start3A_39 : memref<640x64xf32, #tpu.memory_space<hbm>>) target(%dma_start3A_33 : memref<640x64xf32, #tpu.memory_space<vmem_shared>>) target_semaphore(%run_scoped3A_31 : memref<!tpu.dma_semaphore, #tpu.memory_space<semaphore_mem>>)
      %dma_wait3A = arith.constant 0 : i32
      %dma_wait3A_40 = tpu.memref_slice %arg12[%mul3A_0, %dma_wait3A] : memref<10240x64xf32, #tpu.memory_space<vmem_shared>> -> memref<640x64xf32, #tpu.memory_space<vmem_shared>>
      %dma_wait3A_41 = arith.constant 0 : i32
      %dma_wait3A_42 = arith.constant 0 : i32
      %dma_wait3A_43 = tpu.memref_slice %arg2[%run_scoped3A_1, %dma_wait3A_41, %dma_wait3A_42] : memref<2x10240x64xf32, #tpu.memory_space<hbm>> -> memref<1x10240x64xf32, #tpu.memory_space<hbm>>
      %dma_wait3A_44 = tpu.memref_squeeze %dma_wait3A_43 : memref<1x10240x64xf32, #tpu.memory_space<hbm>> -> memref<10240x64xf32, #tpu.memory_space<hbm>>
      %dma_wait3A_45 = arith.constant 0 : i32
      %dma_wait3A_46 = tpu.memref_slice %dma_wait3A_44[%mul3A_0, %dma_wait3A_45] : memref<10240x64xf32, #tpu.memory_space<hbm>> -> memref<640x64xf32, #tpu.memory_space<hbm>>
      tpu.wait_dma2 semaphore(%run_scoped3A_31 : memref<!tpu.dma_semaphore, #tpu.memory_space<semaphore_mem>>) src(%dma_wait3A_46 : memref<640x64xf32, #tpu.memory_space<hbm>>) dst(%dma_wait3A_40 : memref<640x64xf32, #tpu.memory_space<vmem_shared>>)
      tpu.yield
    }) : () -> ()
    %mul3A_2 = arith.constant 16 : i32
    %mul3A_3 = arith.muli %arg0, %mul3A_2 : i32
    %add3A = arith.addi %mul3A_3, %arg1 : i32
    %mul3A_4 = arith.constant 80 : i32
    %mul3A_5 = arith.muli %add3A, %mul3A_4 : i32
    "tpu.region"() ({
      %run_scoped3A_31 = tpu.sem_alloc : memref<!tpu.dma_semaphore, #tpu.memory_space<semaphore_mem>>
      %dma_start3A_32 = arith.constant 0 : i32
      %dma_start3A_33 = tpu.memref_slice %arg4[%mul3A_5, %dma_start3A_32] : memref<2560x128xi32, #tpu.memory_space<hbm>> -> memref<80x128xi32, #tpu.memory_space<hbm>>
      %dma_start3A_34 = arith.constant 0 : i32
      %dma_start3A_35 = tpu.memref_slice %arg4[%mul3A_5, %dma_start3A_34] : memref<2560x128xi32, #tpu.memory_space<hbm>> -> memref<80x128xi32, #tpu.memory_space<hbm>>
      tpu.enqueue_dma source(%dma_start3A_35 : memref<80x128xi32, #tpu.memory_space<hbm>>) target(%arg7 : memref<80x128xi32, #tpu.memory_space<vmem>>) target_semaphore(%run_scoped3A_31 : memref<!tpu.dma_semaphore, #tpu.memory_space<semaphore_mem>>)
      %dma_wait3A = arith.constant 0 : i32
      %dma_wait3A_36 = tpu.memref_slice %arg4[%mul3A_5, %dma_wait3A] : memref<2560x128xi32, #tpu.memory_space<hbm>> -> memref<80x128xi32, #tpu.memory_space<hbm>>
      %dma_wait3A_37 = arith.constant 0 : i32
      %dma_wait3A_38 = tpu.memref_slice %arg4[%mul3A_5, %dma_wait3A_37] : memref<2560x128xi32, #tpu.memory_space<hbm>> -> memref<80x128xi32, #tpu.memory_space<hbm>>
      tpu.wait_dma2 semaphore(%run_scoped3A_31 : memref<!tpu.dma_semaphore, #tpu.memory_space<semaphore_mem>>) src(%dma_wait3A_38 : memref<80x128xi32, #tpu.memory_space<hbm>>) dst(%arg7 : memref<80x128xi32, #tpu.memory_space<vmem>>)
      tpu.yield
    }) : () -> ()
    "tpu.region"() ({
      %run_scoped3A_31 = tpu.sem_alloc : memref<!tpu.dma_semaphore, #tpu.memory_space<semaphore_mem>>
      %dma_start3A_32 = arith.constant 0 : i32
      %dma_start3A_33 = tpu.memref_slice %arg5[%mul3A_5, %dma_start3A_32] : memref<2560x128xi32, #tpu.memory_space<hbm>> -> memref<80x128xi32, #tpu.memory_space<hbm>>
      %dma_start3A_34 = arith.constant 0 : i32
      %dma_start3A_35 = tpu.memref_slice %arg5[%mul3A_5, %dma_start3A_34] : memref<2560x128xi32, #tpu.memory_space<hbm>> -> memref<80x128xi32, #tpu.memory_space<hbm>>
      tpu.enqueue_dma source(%dma_start3A_35 : memref<80x128xi32, #tpu.memory_space<hbm>>) target(%arg8 : memref<80x128xi32, #tpu.memory_space<vmem>>) target_semaphore(%run_scoped3A_31 : memref<!tpu.dma_semaphore, #tpu.memory_space<semaphore_mem>>)
      %dma_wait3A = arith.constant 0 : i32
      %dma_wait3A_36 = tpu.memref_slice %arg5[%mul3A_5, %dma_wait3A] : memref<2560x128xi32, #tpu.memory_space<hbm>> -> memref<80x128xi32, #tpu.memory_space<hbm>>
      %dma_wait3A_37 = arith.constant 0 : i32
      %dma_wait3A_38 = tpu.memref_slice %arg5[%mul3A_5, %dma_wait3A_37] : memref<2560x128xi32, #tpu.memory_space<hbm>> -> memref<80x128xi32, #tpu.memory_space<hbm>>
      tpu.wait_dma2 semaphore(%run_scoped3A_31 : memref<!tpu.dma_semaphore, #tpu.memory_space<semaphore_mem>>) src(%dma_wait3A_38 : memref<80x128xi32, #tpu.memory_space<hbm>>) dst(%arg8 : memref<80x128xi32, #tpu.memory_space<vmem>>)
      tpu.yield
    }) : () -> ()
    %barrier3A = arith.constant 0 : index
    tpu.barrier barrier_id(%barrier3A)
    %dma_start3A = arith.constant 0 : i32
    %dma_start3A_6 = arith.constant 0 : i32
    %dma_start3A_7 = arith.constant 0 : i32
    %dma_start3A_8 = tpu.memref_slice %arg7[%dma_start3A, %dma_start3A_7] : memref<80x128xi32, #tpu.memory_space<vmem>> -> memref<1x128xi32, #tpu.memory_space<vmem>>
    %dma_start3A_9 = tpu.memref_squeeze %dma_start3A_8 : memref<1x128xi32, #tpu.memory_space<vmem>> -> memref<128xi32, #tpu.memory_space<vmem>>
    %dma_start3A_10 = arith.constant 0 : i32
    %dma_start3A_11 = arith.constant 0 : i32
    %dma_start3A_12 = tpu.memref_slice %arg12[%dma_start3A_10, %dma_start3A_11] : memref<10240x64xf32, #tpu.memory_space<vmem_shared>> -> memref<10240x64xf32, #tpu.memory_space<vmem_shared>>
    %dma_start3A_13 = tpu.memref_slice %arg13[%dma_start3A_6] : memref<2x!tpu.dma_semaphore, #tpu.memory_space<semaphore_mem>> -> memref<1x!tpu.dma_semaphore, #tpu.memory_space<semaphore_mem>>
    %dma_start3A_14 = tpu.memref_squeeze %dma_start3A_13 : memref<1x!tpu.dma_semaphore, #tpu.memory_space<semaphore_mem>> -> memref<!tpu.dma_semaphore, #tpu.memory_space<semaphore_mem>>
    tpu.enqueue_indirect_dma source(%dma_start3A_12 : memref<10240x64xf32, #tpu.memory_space<vmem_shared>>) target(%arg9 : memref<128x64xf32, #tpu.memory_space<vmem>>) offsets(%dma_start3A_9 : memref<128xi32, #tpu.memory_space<vmem>>) semaphore(%dma_start3A_14 : memref<!tpu.dma_semaphore, #tpu.memory_space<semaphore_mem>>)
    %dma_start3A_15 = arith.constant 1 : i32
    %dma_start3A_16 = arith.constant 1 : i32
    %dma_start3A_17 = arith.constant 0 : i32
    %dma_start3A_18 = tpu.memref_slice %arg7[%dma_start3A_15, %dma_start3A_17] : memref<80x128xi32, #tpu.memory_space<vmem>> -> memref<1x128xi32, #tpu.memory_space<vmem>>
    %dma_start3A_19 = tpu.memref_squeeze %dma_start3A_18 : memref<1x128xi32, #tpu.memory_space<vmem>> -> memref<128xi32, #tpu.memory_space<vmem>>
    %dma_start3A_20 = arith.constant 0 : i32
    %dma_start3A_21 = arith.constant 0 : i32
    %dma_start3A_22 = tpu.memref_slice %arg12[%dma_start3A_20, %dma_start3A_21] : memref<10240x64xf32, #tpu.memory_space<vmem_shared>> -> memref<10240x64xf32, #tpu.memory_space<vmem_shared>>
    %dma_start3A_23 = tpu.memref_slice %arg13[%dma_start3A_16] : memref<2x!tpu.dma_semaphore, #tpu.memory_space<semaphore_mem>> -> memref<1x!tpu.dma_semaphore, #tpu.memory_space<semaphore_mem>>
    %dma_start3A_24 = tpu.memref_squeeze %dma_start3A_23 : memref<1x!tpu.dma_semaphore, #tpu.memory_space<semaphore_mem>> -> memref<!tpu.dma_semaphore, #tpu.memory_space<semaphore_mem>>
    tpu.enqueue_indirect_dma source(%dma_start3A_22 : memref<10240x64xf32, #tpu.memory_space<vmem_shared>>) target(%arg10 : memref<128x64xf32, #tpu.memory_space<vmem>>) offsets(%dma_start3A_19 : memref<128xi32, #tpu.memory_space<vmem>>) semaphore(%dma_start3A_24 : memref<!tpu.dma_semaphore, #tpu.memory_space<semaphore_mem>>)
    %scan3A = arith.constant 0 : i32
    %scan3A_25 = arith.constant 0 : i32
    %scan3A_26 = arith.constant 40 : i32
    %scan3A_27 = arith.addi %scan3A_25, %scan3A_26 : i32
    %scan3A_28 = arith.constant 1 : i32
    scf.for %scan3A_31 = %scan3A_25 to %scan3A_27 step %scan3A_28  : i32 {
      %mul3A_32 = arith.constant 2 : i32
      %mul3A_33 = arith.muli %scan3A_31, %mul3A_32 : i32
      %add3A_34 = arith.constant 0 : i32
      %add3A_35 = arith.addi %mul3A_33, %add3A_34 : i32
      %dma_wait3A = arith.constant 0 : i32
      %dma_wait3A_36 = arith.constant 0 : i32
      %dma_wait3A_37 = tpu.memref_slice %arg7[%add3A_35, %dma_wait3A_36] : memref<80x128xi32, #tpu.memory_space<vmem>> -> memref<1x128xi32, #tpu.memory_space<vmem>>
      %dma_wait3A_38 = tpu.memref_squeeze %dma_wait3A_37 : memref<1x128xi32, #tpu.memory_space<vmem>> -> memref<128xi32, #tpu.memory_space<vmem>>
      %dma_wait3A_39 = arith.constant 0 : i32
      %dma_wait3A_40 = arith.constant 0 : i32
      %dma_wait3A_41 = tpu.memref_slice %arg12[%dma_wait3A_39, %dma_wait3A_40] : memref<10240x64xf32, #tpu.memory_space<vmem_shared>> -> memref<10240x64xf32, #tpu.memory_space<vmem_shared>>
      %dma_wait3A_42 = tpu.memref_slice %arg13[%dma_wait3A] : memref<2x!tpu.dma_semaphore, #tpu.memory_space<semaphore_mem>> -> memref<1x!tpu.dma_semaphore, #tpu.memory_space<semaphore_mem>>
      %dma_wait3A_43 = tpu.memref_squeeze %dma_wait3A_42 : memref<1x!tpu.dma_semaphore, #tpu.memory_space<semaphore_mem>> -> memref<!tpu.dma_semaphore, #tpu.memory_space<semaphore_mem>>
      tpu.wait_indirect_dma semaphore(%dma_wait3A_43 : memref<!tpu.dma_semaphore, #tpu.memory_space<semaphore_mem>>) src(%dma_wait3A_41 : memref<10240x64xf32, #tpu.memory_space<vmem_shared>>) dst(%arg9 : memref<128x64xf32, #tpu.memory_space<vmem>>)
      "tpu.region"() ({
        %run_scoped3A_68 = tpu.sem_alloc : memref<!tpu.dma_semaphore, #tpu.memory_space<semaphore_mem>>
        %dma_start3A_69 = arith.constant 0 : i32
        %dma_start3A_70 = tpu.memref_slice %arg8[%add3A_35, %dma_start3A_69] : memref<80x128xi32, #tpu.memory_space<vmem>> -> memref<1x128xi32, #tpu.memory_space<vmem>>
        %dma_start3A_71 = tpu.memref_squeeze %dma_start3A_70 : memref<1x128xi32, #tpu.memory_space<vmem>> -> memref<128xi32, #tpu.memory_space<vmem>>
        %dma_start3A_72 = arith.constant 0 : i32
        %dma_start3A_73 = arith.constant 0 : i32
        %dma_start3A_74 = tpu.memref_slice %arg11[%dma_start3A_72, %dma_start3A_73] : memref<10240x64xf32, #tpu.memory_space<vmem_shared>> -> memref<10240x64xf32, #tpu.memory_space<vmem_shared>>
        tpu.enqueue_indirect_dma source(%arg9 : memref<128x64xf32, #tpu.memory_space<vmem>>) target(%dma_start3A_74 : memref<10240x64xf32, #tpu.memory_space<vmem_shared>>) offsets(%dma_start3A_71 : memref<128xi32, #tpu.memory_space<vmem>>) semaphore(%run_scoped3A_68 : memref<!tpu.dma_semaphore, #tpu.memory_space<semaphore_mem>>) {add = true}
        %dma_wait3A_75 = arith.constant 0 : i32
        %dma_wait3A_76 = tpu.memref_slice %arg8[%add3A_35, %dma_wait3A_75] : memref<80x128xi32, #tpu.memory_space<vmem>> -> memref<1x128xi32, #tpu.memory_space<vmem>>
        %dma_wait3A_77 = tpu.memref_squeeze %dma_wait3A_76 : memref<1x128xi32, #tpu.memory_space<vmem>> -> memref<128xi32, #tpu.memory_space<vmem>>
        %dma_wait3A_78 = arith.constant 0 : i32
        %dma_wait3A_79 = arith.constant 0 : i32
        %dma_wait3A_80 = tpu.memref_slice %arg11[%dma_wait3A_78, %dma_wait3A_79] : memref<10240x64xf32, #tpu.memory_space<vmem_shared>> -> memref<10240x64xf32, #tpu.memory_space<vmem_shared>>
        tpu.wait_indirect_dma semaphore(%run_scoped3A_68 : memref<!tpu.dma_semaphore, #tpu.memory_space<semaphore_mem>>) src(%arg9 : memref<128x64xf32, #tpu.memory_space<vmem>>) dst(%dma_wait3A_80 : memref<10240x64xf32, #tpu.memory_space<vmem_shared>>)
        tpu.yield
      }) : () -> ()
      %add3A_44 = arith.constant 2 : i32
      %add3A_45 = arith.addi %add3A_35, %add3A_44 : i32
      %lt3A = arith.constant 80 : i32
      %lt3A_46 = arith.cmpi slt, %add3A_45, %lt3A : i32
      %convert_element_type3A = arith.extui %lt3A_46 : i1 to i32
      %cond3A = arith.constant 0 : i32
      %cond3A_47 = arith.cmpi ne, %convert_element_type3A, %cond3A : i32
      scf.if %cond3A_47 {
        %add3A_68 = arith.constant 2 : i32
        %add3A_69 = arith.addi %add3A_35, %add3A_68 : i32
        %dma_start3A_70 = arith.constant 0 : i32
        %dma_start3A_71 = arith.constant 0 : i32
        %dma_start3A_72 = tpu.memref_slice %arg7[%add3A_69, %dma_start3A_71] : memref<80x128xi32, #tpu.memory_space<vmem>> -> memref<1x128xi32, #tpu.memory_space<vmem>>
        %dma_start3A_73 = tpu.memref_squeeze %dma_start3A_72 : memref<1x128xi32, #tpu.memory_space<vmem>> -> memref<128xi32, #tpu.memory_space<vmem>>
        %dma_start3A_74 = arith.constant 0 : i32
        %dma_start3A_75 = arith.constant 0 : i32
        %dma_start3A_76 = tpu.memref_slice %arg12[%dma_start3A_74, %dma_start3A_75] : memref<10240x64xf32, #tpu.memory_space<vmem_shared>> -> memref<10240x64xf32, #tpu.memory_space<vmem_shared>>
        %dma_start3A_77 = tpu.memref_slice %arg13[%dma_start3A_70] : memref<2x!tpu.dma_semaphore, #tpu.memory_space<semaphore_mem>> -> memref<1x!tpu.dma_semaphore, #tpu.memory_space<semaphore_mem>>
        %dma_start3A_78 = tpu.memref_squeeze %dma_start3A_77 : memref<1x!tpu.dma_semaphore, #tpu.memory_space<semaphore_mem>> -> memref<!tpu.dma_semaphore, #tpu.memory_space<semaphore_mem>>
        tpu.enqueue_indirect_dma source(%dma_start3A_76 : memref<10240x64xf32, #tpu.memory_space<vmem_shared>>) target(%arg9 : memref<128x64xf32, #tpu.memory_space<vmem>>) offsets(%dma_start3A_73 : memref<128xi32, #tpu.memory_space<vmem>>) semaphore(%dma_start3A_78 : memref<!tpu.dma_semaphore, #tpu.memory_space<semaphore_mem>>)
      } else {
      }
      %mul3A_48 = arith.constant 2 : i32
      %mul3A_49 = arith.muli %scan3A_31, %mul3A_48 : i32
      %add3A_50 = arith.constant 1 : i32
      %add3A_51 = arith.addi %mul3A_49, %add3A_50 : i32
      %dma_wait3A_52 = arith.constant 1 : i32
      %dma_wait3A_53 = arith.constant 0 : i32
      %dma_wait3A_54 = tpu.memref_slice %arg7[%add3A_51, %dma_wait3A_53] : memref<80x128xi32, #tpu.memory_space<vmem>> -> memref<1x128xi32, #tpu.memory_space<vmem>>
      %dma_wait3A_55 = tpu.memref_squeeze %dma_wait3A_54 : memref<1x128xi32, #tpu.memory_space<vmem>> -> memref<128xi32, #tpu.memory_space<vmem>>
      %dma_wait3A_56 = arith.constant 0 : i32
      %dma_wait3A_57 = arith.constant 0 : i32
      %dma_wait3A_58 = tpu.memref_slice %arg12[%dma_wait3A_56, %dma_wait3A_57] : memref<10240x64xf32, #tpu.memory_space<vmem_shared>> -> memref<10240x64xf32, #tpu.memory_space<vmem_shared>>
      %dma_wait3A_59 = tpu.memref_slice %arg13[%dma_wait3A_52] : memref<2x!tpu.dma_semaphore, #tpu.memory_space<semaphore_mem>> -> memref<1x!tpu.dma_semaphore, #tpu.memory_space<semaphore_mem>>
      %dma_wait3A_60 = tpu.memref_squeeze %dma_wait3A_59 : memref<1x!tpu.dma_semaphore, #tpu.memory_space<semaphore_mem>> -> memref<!tpu.dma_semaphore, #tpu.memory_space<semaphore_mem>>
      tpu.wait_indirect_dma semaphore(%dma_wait3A_60 : memref<!tpu.dma_semaphore, #tpu.memory_space<semaphore_mem>>) src(%dma_wait3A_58 : memref<10240x64xf32, #tpu.memory_space<vmem_shared>>) dst(%arg10 : memref<128x64xf32, #tpu.memory_space<vmem>>)
      "tpu.region"() ({
        %run_scoped3A_68 = tpu.sem_alloc : memref<!tpu.dma_semaphore, #tpu.memory_space<semaphore_mem>>
        %dma_start3A_69 = arith.constant 0 : i32
        %dma_start3A_70 = tpu.memref_slice %arg8[%add3A_51, %dma_start3A_69] : memref<80x128xi32, #tpu.memory_space<vmem>> -> memref<1x128xi32, #tpu.memory_space<vmem>>
        %dma_start3A_71 = tpu.memref_squeeze %dma_start3A_70 : memref<1x128xi32, #tpu.memory_space<vmem>> -> memref<128xi32, #tpu.memory_space<vmem>>
        %dma_start3A_72 = arith.constant 0 : i32
        %dma_start3A_73 = arith.constant 0 : i32
        %dma_start3A_74 = tpu.memref_slice %arg11[%dma_start3A_72, %dma_start3A_73] : memref<10240x64xf32, #tpu.memory_space<vmem_shared>> -> memref<10240x64xf32, #tpu.memory_space<vmem_shared>>
        tpu.enqueue_indirect_dma source(%arg10 : memref<128x64xf32, #tpu.memory_space<vmem>>) target(%dma_start3A_74 : memref<10240x64xf32, #tpu.memory_space<vmem_shared>>) offsets(%dma_start3A_71 : memref<128xi32, #tpu.memory_space<vmem>>) semaphore(%run_scoped3A_68 : memref<!tpu.dma_semaphore, #tpu.memory_space<semaphore_mem>>) {add = true}
        %dma_wait3A_75 = arith.constant 0 : i32
        %dma_wait3A_76 = tpu.memref_slice %arg8[%add3A_51, %dma_wait3A_75] : memref<80x128xi32, #tpu.memory_space<vmem>> -> memref<1x128xi32, #tpu.memory_space<vmem>>
        %dma_wait3A_77 = tpu.memref_squeeze %dma_wait3A_76 : memref<1x128xi32, #tpu.memory_space<vmem>> -> memref<128xi32, #tpu.memory_space<vmem>>
        %dma_wait3A_78 = arith.constant 0 : i32
        %dma_wait3A_79 = arith.constant 0 : i32
        %dma_wait3A_80 = tpu.memref_slice %arg11[%dma_wait3A_78, %dma_wait3A_79] : memref<10240x64xf32, #tpu.memory_space<vmem_shared>> -> memref<10240x64xf32, #tpu.memory_space<vmem_shared>>
        tpu.wait_indirect_dma semaphore(%run_scoped3A_68 : memref<!tpu.dma_semaphore, #tpu.memory_space<semaphore_mem>>) src(%arg10 : memref<128x64xf32, #tpu.memory_space<vmem>>) dst(%dma_wait3A_80 : memref<10240x64xf32, #tpu.memory_space<vmem_shared>>)
        tpu.yield
      }) : () -> ()
      %add3A_61 = arith.constant 2 : i32
      %add3A_62 = arith.addi %add3A_51, %add3A_61 : i32
      %lt3A_63 = arith.constant 80 : i32
      %lt3A_64 = arith.cmpi slt, %add3A_62, %lt3A_63 : i32
      %convert_element_type3A_65 = arith.extui %lt3A_64 : i1 to i32
      %cond3A_66 = arith.constant 0 : i32
      %cond3A_67 = arith.cmpi ne, %convert_element_type3A_65, %cond3A_66 : i32
      scf.if %cond3A_67 {
        %add3A_68 = arith.constant 2 : i32
        %add3A_69 = arith.addi %add3A_51, %add3A_68 : i32
        %dma_start3A_70 = arith.constant 1 : i32
        %dma_start3A_71 = arith.constant 0 : i32
        %dma_start3A_72 = tpu.memref_slice %arg7[%add3A_69, %dma_start3A_71] : memref<80x128xi32, #tpu.memory_space<vmem>> -> memref<1x128xi32, #tpu.memory_space<vmem>>
        %dma_start3A_73 = tpu.memref_squeeze %dma_start3A_72 : memref<1x128xi32, #tpu.memory_space<vmem>> -> memref<128xi32, #tpu.memory_space<vmem>>
        %dma_start3A_74 = arith.constant 0 : i32
        %dma_start3A_75 = arith.constant 0 : i32
        %dma_start3A_76 = tpu.memref_slice %arg12[%dma_start3A_74, %dma_start3A_75] : memref<10240x64xf32, #tpu.memory_space<vmem_shared>> -> memref<10240x64xf32, #tpu.memory_space<vmem_shared>>
        %dma_start3A_77 = tpu.memref_slice %arg13[%dma_start3A_70] : memref<2x!tpu.dma_semaphore, #tpu.memory_space<semaphore_mem>> -> memref<1x!tpu.dma_semaphore, #tpu.memory_space<semaphore_mem>>
        %dma_start3A_78 = tpu.memref_squeeze %dma_start3A_77 : memref<1x!tpu.dma_semaphore, #tpu.memory_space<semaphore_mem>> -> memref<!tpu.dma_semaphore, #tpu.memory_space<semaphore_mem>>
        tpu.enqueue_indirect_dma source(%dma_start3A_76 : memref<10240x64xf32, #tpu.memory_space<vmem_shared>>) target(%arg10 : memref<128x64xf32, #tpu.memory_space<vmem>>) offsets(%dma_start3A_73 : memref<128xi32, #tpu.memory_space<vmem>>) semaphore(%dma_start3A_78 : memref<!tpu.dma_semaphore, #tpu.memory_space<semaphore_mem>>)
      } else {
      }
    }
    %scan3A_29 = arith.constant 40 : i32
    %barrier3A_30 = arith.constant 0 : index
    tpu.barrier barrier_id(%barrier3A_30)
    "tpu.region"() ({
      %run_scoped3A_31 = tpu.sem_alloc : memref<!tpu.dma_semaphore, #tpu.memory_space<semaphore_mem>>
      %dma_start3A_32 = arith.constant 0 : i32
      %dma_start3A_33 = arith.constant 0 : i32
      %dma_start3A_34 = tpu.memref_slice %arg6[%arg0, %dma_start3A_32, %dma_start3A_33] : memref<2x10240x64xf32, #tpu.memory_space<hbm>> -> memref<1x10240x64xf32, #tpu.memory_space<hbm>>
      %dma_start3A_35 = tpu.memref_squeeze %dma_start3A_34 : memref<1x10240x64xf32, #tpu.memory_space<hbm>> -> memref<10240x64xf32, #tpu.memory_space<hbm>>
      %dma_start3A_36 = arith.constant 0 : i32
      %dma_start3A_37 = tpu.memref_slice %dma_start3A_35[%mul3A_0, %dma_start3A_36] : memref<10240x64xf32, #tpu.memory_space<hbm>> -> memref<640x64xf32, #tpu.memory_space<hbm>>
      %dma_start3A_38 = arith.constant 0 : i32
      %dma_start3A_39 = tpu.memref_slice %arg11[%mul3A_0, %dma_start3A_38] : memref<10240x64xf32, #tpu.memory_space<vmem_shared>> -> memref<640x64xf32, #tpu.memory_space<vmem_shared>>
      tpu.enqueue_dma source(%dma_start3A_39 : memref<640x64xf32, #tpu.memory_space<vmem_shared>>) target(%dma_start3A_37 : memref<640x64xf32, #tpu.memory_space<hbm>>) target_semaphore(%run_scoped3A_31 : memref<!tpu.dma_semaphore, #tpu.memory_space<semaphore_mem>>)
      %dma_wait3A = arith.constant 0 : i32
      %dma_wait3A_40 = arith.constant 0 : i32
      %dma_wait3A_41 = tpu.memref_slice %arg6[%arg0, %dma_wait3A, %dma_wait3A_40] : memref<2x10240x64xf32, #tpu.memory_space<hbm>> -> memref<1x10240x64xf32, #tpu.memory_space<hbm>>
      %dma_wait3A_42 = tpu.memref_squeeze %dma_wait3A_41 : memref<1x10240x64xf32, #tpu.memory_space<hbm>> -> memref<10240x64xf32, #tpu.memory_space<hbm>>
      %dma_wait3A_43 = arith.constant 0 : i32
      %dma_wait3A_44 = tpu.memref_slice %dma_wait3A_42[%mul3A_0, %dma_wait3A_43] : memref<10240x64xf32, #tpu.memory_space<hbm>> -> memref<640x64xf32, #tpu.memory_space<hbm>>
      %dma_wait3A_45 = arith.constant 0 : i32
      %dma_wait3A_46 = tpu.memref_slice %arg11[%mul3A_0, %dma_wait3A_45] : memref<10240x64xf32, #tpu.memory_space<vmem_shared>> -> memref<640x64xf32, #tpu.memory_space<vmem_shared>>
      tpu.wait_dma2 semaphore(%run_scoped3A_31 : memref<!tpu.dma_semaphore, #tpu.memory_space<semaphore_mem>>) src(%dma_wait3A_46 : memref<640x64xf32, #tpu.memory_space<vmem_shared>>) dst(%dma_wait3A_44 : memref<640x64xf32, #tpu.memory_space<hbm>>)
      tpu.yield
    }) : () -> ()
    return
  }
}

#map = affine_map<(d0, d1) -> (0, 0)>
#map1 = affine_map<(d0, d1) -> (0, 0, 0)>
module attributes {stable_mosaic.version = 14 : i64} {
  func.func @sc_fn(%arg0: i32, %arg1: i32, %arg2: memref<10240x64xf32, #tpu.memory_space<hbm>>, %arg3: memref<10240x64xf32, #tpu.memory_space<hbm>>, %arg4: memref<2560x128xi32, #tpu.memory_space<hbm>>, %arg5: memref<2560x128xi32, #tpu.memory_space<hbm>>, %arg6: memref<2x10240x64xf32, #tpu.memory_space<hbm>>, %arg7: memref<80x128xi32, #tpu.memory_space<vmem>>, %arg8: memref<80x128xi32, #tpu.memory_space<vmem>>, %arg9: memref<128x64xf32, #tpu.memory_space<vmem>>, %arg10: memref<128x64xf32, #tpu.memory_space<vmem>>, %arg11: memref<10240x64xf32, #tpu.memory_space<vmem_shared>>, %arg12: memref<10240x64xf32, #tpu.memory_space<vmem_shared>>, %arg13: memref<2x!tpu.dma_semaphore, #tpu.memory_space<semaphore_mem>>) attributes {dimension_semantics = [#tpu.dimension_semantics<core_parallel>, #tpu.dimension_semantics<subcore_parallel>], iteration_bounds = array<i64: 2, 16>, scalar_prefetch = 0 : i64, scratch_operands = 7 : i64, tpu.core_type = #tpu.core_type<sc_vector_subcore>, window_params = [{transform_indices = #map}, {transform_indices = #map}, {transform_indices = #map}, {transform_indices = #map}, {transform_indices = #map1}]} {
    %mul3A = arith.constant 640 : i32
    %mul3A_0 = arith.muli %arg1, %mul3A : i32
    "tpu.region"() ({
      %run_scoped3A = tpu.sem_alloc : memref<!tpu.dma_semaphore, #tpu.memory_space<semaphore_mem>>
      %dma_start3A_30 = arith.constant 0 : i32
      %dma_start3A_31 = tpu.memref_slice %arg11[%mul3A_0, %dma_start3A_30] : memref<10240x64xf32, #tpu.memory_space<vmem_shared>> -> memref<640x64xf32, #tpu.memory_space<vmem_shared>>
      %dma_start3A_32 = arith.constant 0 : i32
      %dma_start3A_33 = tpu.memref_slice %arg3[%mul3A_0, %dma_start3A_32] : memref<10240x64xf32, #tpu.memory_space<hbm>> -> memref<640x64xf32, #tpu.memory_space<hbm>>
      tpu.enqueue_dma source(%dma_start3A_33 : memref<640x64xf32, #tpu.memory_space<hbm>>) target(%dma_start3A_31 : memref<640x64xf32, #tpu.memory_space<vmem_shared>>) target_semaphore(%run_scoped3A : memref<!tpu.dma_semaphore, #tpu.memory_space<semaphore_mem>>)
      %dma_wait3A = arith.constant 0 : i32
      %dma_wait3A_34 = tpu.memref_slice %arg11[%mul3A_0, %dma_wait3A] : memref<10240x64xf32, #tpu.memory_space<vmem_shared>> -> memref<640x64xf32, #tpu.memory_space<vmem_shared>>
      %dma_wait3A_35 = arith.constant 0 : i32
      %dma_wait3A_36 = tpu.memref_slice %arg3[%mul3A_0, %dma_wait3A_35] : memref<10240x64xf32, #tpu.memory_space<hbm>> -> memref<640x64xf32, #tpu.memory_space<hbm>>
      tpu.wait_dma2 semaphore(%run_scoped3A : memref<!tpu.dma_semaphore, #tpu.memory_space<semaphore_mem>>) src(%dma_wait3A_36 : memref<640x64xf32, #tpu.memory_space<hbm>>) dst(%dma_wait3A_34 : memref<640x64xf32, #tpu.memory_space<vmem_shared>>)
      tpu.yield
    }) : () -> ()
    "tpu.region"() ({
      %run_scoped3A = tpu.sem_alloc : memref<!tpu.dma_semaphore, #tpu.memory_space<semaphore_mem>>
      %dma_start3A_30 = arith.constant 0 : i32
      %dma_start3A_31 = tpu.memref_slice %arg12[%mul3A_0, %dma_start3A_30] : memref<10240x64xf32, #tpu.memory_space<vmem_shared>> -> memref<640x64xf32, #tpu.memory_space<vmem_shared>>
      %dma_start3A_32 = arith.constant 0 : i32
      %dma_start3A_33 = tpu.memref_slice %arg2[%mul3A_0, %dma_start3A_32] : memref<10240x64xf32, #tpu.memory_space<hbm>> -> memref<640x64xf32, #tpu.memory_space<hbm>>
      tpu.enqueue_dma source(%dma_start3A_33 : memref<640x64xf32, #tpu.memory_space<hbm>>) target(%dma_start3A_31 : memref<640x64xf32, #tpu.memory_space<vmem_shared>>) target_semaphore(%run_scoped3A : memref<!tpu.dma_semaphore, #tpu.memory_space<semaphore_mem>>)
      %dma_wait3A = arith.constant 0 : i32
      %dma_wait3A_34 = tpu.memref_slice %arg12[%mul3A_0, %dma_wait3A] : memref<10240x64xf32, #tpu.memory_space<vmem_shared>> -> memref<640x64xf32, #tpu.memory_space<vmem_shared>>
      %dma_wait3A_35 = arith.constant 0 : i32
      %dma_wait3A_36 = tpu.memref_slice %arg2[%mul3A_0, %dma_wait3A_35] : memref<10240x64xf32, #tpu.memory_space<hbm>> -> memref<640x64xf32, #tpu.memory_space<hbm>>
      tpu.wait_dma2 semaphore(%run_scoped3A : memref<!tpu.dma_semaphore, #tpu.memory_space<semaphore_mem>>) src(%dma_wait3A_36 : memref<640x64xf32, #tpu.memory_space<hbm>>) dst(%dma_wait3A_34 : memref<640x64xf32, #tpu.memory_space<vmem_shared>>)
      tpu.yield
    }) : () -> ()
    %mul3A_1 = arith.constant 16 : i32
    %mul3A_2 = arith.muli %arg0, %mul3A_1 : i32
    %add3A = arith.addi %mul3A_2, %arg1 : i32
    %mul3A_3 = arith.constant 80 : i32
    %mul3A_4 = arith.muli %add3A, %mul3A_3 : i32
    "tpu.region"() ({
      %run_scoped3A = tpu.sem_alloc : memref<!tpu.dma_semaphore, #tpu.memory_space<semaphore_mem>>
      %dma_start3A_30 = arith.constant 0 : i32
      %dma_start3A_31 = tpu.memref_slice %arg4[%mul3A_4, %dma_start3A_30] : memref<2560x128xi32, #tpu.memory_space<hbm>> -> memref<80x128xi32, #tpu.memory_space<hbm>>
      %dma_start3A_32 = arith.constant 0 : i32
      %dma_start3A_33 = tpu.memref_slice %arg4[%mul3A_4, %dma_start3A_32] : memref<2560x128xi32, #tpu.memory_space<hbm>> -> memref<80x128xi32, #tpu.memory_space<hbm>>
      tpu.enqueue_dma source(%dma_start3A_33 : memref<80x128xi32, #tpu.memory_space<hbm>>) target(%arg7 : memref<80x128xi32, #tpu.memory_space<vmem>>) target_semaphore(%run_scoped3A : memref<!tpu.dma_semaphore, #tpu.memory_space<semaphore_mem>>)
      %dma_wait3A = arith.constant 0 : i32
      %dma_wait3A_34 = tpu.memref_slice %arg4[%mul3A_4, %dma_wait3A] : memref<2560x128xi32, #tpu.memory_space<hbm>> -> memref<80x128xi32, #tpu.memory_space<hbm>>
      %dma_wait3A_35 = arith.constant 0 : i32
      %dma_wait3A_36 = tpu.memref_slice %arg4[%mul3A_4, %dma_wait3A_35] : memref<2560x128xi32, #tpu.memory_space<hbm>> -> memref<80x128xi32, #tpu.memory_space<hbm>>
      tpu.wait_dma2 semaphore(%run_scoped3A : memref<!tpu.dma_semaphore, #tpu.memory_space<semaphore_mem>>) src(%dma_wait3A_36 : memref<80x128xi32, #tpu.memory_space<hbm>>) dst(%arg7 : memref<80x128xi32, #tpu.memory_space<vmem>>)
      tpu.yield
    }) : () -> ()
    "tpu.region"() ({
      %run_scoped3A = tpu.sem_alloc : memref<!tpu.dma_semaphore, #tpu.memory_space<semaphore_mem>>
      %dma_start3A_30 = arith.constant 0 : i32
      %dma_start3A_31 = tpu.memref_slice %arg5[%mul3A_4, %dma_start3A_30] : memref<2560x128xi32, #tpu.memory_space<hbm>> -> memref<80x128xi32, #tpu.memory_space<hbm>>
      %dma_start3A_32 = arith.constant 0 : i32
      %dma_start3A_33 = tpu.memref_slice %arg5[%mul3A_4, %dma_start3A_32] : memref<2560x128xi32, #tpu.memory_space<hbm>> -> memref<80x128xi32, #tpu.memory_space<hbm>>
      tpu.enqueue_dma source(%dma_start3A_33 : memref<80x128xi32, #tpu.memory_space<hbm>>) target(%arg8 : memref<80x128xi32, #tpu.memory_space<vmem>>) target_semaphore(%run_scoped3A : memref<!tpu.dma_semaphore, #tpu.memory_space<semaphore_mem>>)
      %dma_wait3A = arith.constant 0 : i32
      %dma_wait3A_34 = tpu.memref_slice %arg5[%mul3A_4, %dma_wait3A] : memref<2560x128xi32, #tpu.memory_space<hbm>> -> memref<80x128xi32, #tpu.memory_space<hbm>>
      %dma_wait3A_35 = arith.constant 0 : i32
      %dma_wait3A_36 = tpu.memref_slice %arg5[%mul3A_4, %dma_wait3A_35] : memref<2560x128xi32, #tpu.memory_space<hbm>> -> memref<80x128xi32, #tpu.memory_space<hbm>>
      tpu.wait_dma2 semaphore(%run_scoped3A : memref<!tpu.dma_semaphore, #tpu.memory_space<semaphore_mem>>) src(%dma_wait3A_36 : memref<80x128xi32, #tpu.memory_space<hbm>>) dst(%arg8 : memref<80x128xi32, #tpu.memory_space<vmem>>)
      tpu.yield
    }) : () -> ()
    %barrier3A = arith.constant 0 : index
    tpu.barrier barrier_id(%barrier3A)
    %dma_start3A = arith.constant 0 : i32
    %dma_start3A_5 = arith.constant 0 : i32
    %dma_start3A_6 = arith.constant 0 : i32
    %dma_start3A_7 = tpu.memref_slice %arg7[%dma_start3A, %dma_start3A_6] : memref<80x128xi32, #tpu.memory_space<vmem>> -> memref<1x128xi32, #tpu.memory_space<vmem>>
    %dma_start3A_8 = tpu.memref_squeeze %dma_start3A_7 : memref<1x128xi32, #tpu.memory_space<vmem>> -> memref<128xi32, #tpu.memory_space<vmem>>
    %dma_start3A_9 = arith.constant 0 : i32
    %dma_start3A_10 = arith.constant 0 : i32
    %dma_start3A_11 = tpu.memref_slice %arg12[%dma_start3A_9, %dma_start3A_10] : memref<10240x64xf32, #tpu.memory_space<vmem_shared>> -> memref<10240x64xf32, #tpu.memory_space<vmem_shared>>
    %dma_start3A_12 = tpu.memref_slice %arg13[%dma_start3A_5] : memref<2x!tpu.dma_semaphore, #tpu.memory_space<semaphore_mem>> -> memref<1x!tpu.dma_semaphore, #tpu.memory_space<semaphore_mem>>
    %dma_start3A_13 = tpu.memref_squeeze %dma_start3A_12 : memref<1x!tpu.dma_semaphore, #tpu.memory_space<semaphore_mem>> -> memref<!tpu.dma_semaphore, #tpu.memory_space<semaphore_mem>>
    tpu.enqueue_indirect_dma source(%dma_start3A_11 : memref<10240x64xf32, #tpu.memory_space<vmem_shared>>) target(%arg9 : memref<128x64xf32, #tpu.memory_space<vmem>>) offsets(%dma_start3A_8 : memref<128xi32, #tpu.memory_space<vmem>>) semaphore(%dma_start3A_13 : memref<!tpu.dma_semaphore, #tpu.memory_space<semaphore_mem>>)
    %dma_start3A_14 = arith.constant 1 : i32
    %dma_start3A_15 = arith.constant 1 : i32
    %dma_start3A_16 = arith.constant 0 : i32
    %dma_start3A_17 = tpu.memref_slice %arg7[%dma_start3A_14, %dma_start3A_16] : memref<80x128xi32, #tpu.memory_space<vmem>> -> memref<1x128xi32, #tpu.memory_space<vmem>>
    %dma_start3A_18 = tpu.memref_squeeze %dma_start3A_17 : memref<1x128xi32, #tpu.memory_space<vmem>> -> memref<128xi32, #tpu.memory_space<vmem>>
    %dma_start3A_19 = arith.constant 0 : i32
    %dma_start3A_20 = arith.constant 0 : i32
    %dma_start3A_21 = tpu.memref_slice %arg12[%dma_start3A_19, %dma_start3A_20] : memref<10240x64xf32, #tpu.memory_space<vmem_shared>> -> memref<10240x64xf32, #tpu.memory_space<vmem_shared>>
    %dma_start3A_22 = tpu.memref_slice %arg13[%dma_start3A_15] : memref<2x!tpu.dma_semaphore, #tpu.memory_space<semaphore_mem>> -> memref<1x!tpu.dma_semaphore, #tpu.memory_space<semaphore_mem>>
    %dma_start3A_23 = tpu.memref_squeeze %dma_start3A_22 : memref<1x!tpu.dma_semaphore, #tpu.memory_space<semaphore_mem>> -> memref<!tpu.dma_semaphore, #tpu.memory_space<semaphore_mem>>
    tpu.enqueue_indirect_dma source(%dma_start3A_21 : memref<10240x64xf32, #tpu.memory_space<vmem_shared>>) target(%arg10 : memref<128x64xf32, #tpu.memory_space<vmem>>) offsets(%dma_start3A_18 : memref<128xi32, #tpu.memory_space<vmem>>) semaphore(%dma_start3A_23 : memref<!tpu.dma_semaphore, #tpu.memory_space<semaphore_mem>>)
    %scan3A = arith.constant 0 : i32
    %scan3A_24 = arith.constant 0 : i32
    %scan3A_25 = arith.constant 40 : i32
    %scan3A_26 = arith.addi %scan3A_24, %scan3A_25 : i32
    %scan3A_27 = arith.constant 1 : i32
    scf.for %scan3A_30 = %scan3A_24 to %scan3A_26 step %scan3A_27  : i32 {
      %mul3A_31 = arith.constant 2 : i32
      %mul3A_32 = arith.muli %scan3A_30, %mul3A_31 : i32
      %add3A_33 = arith.constant 0 : i32
      %add3A_34 = arith.addi %mul3A_32, %add3A_33 : i32
      %dma_wait3A = arith.constant 0 : i32
      %dma_wait3A_35 = arith.constant 0 : i32
      %dma_wait3A_36 = tpu.memref_slice %arg7[%add3A_34, %dma_wait3A_35] : memref<80x128xi32, #tpu.memory_space<vmem>> -> memref<1x128xi32, #tpu.memory_space<vmem>>
      %dma_wait3A_37 = tpu.memref_squeeze %dma_wait3A_36 : memref<1x128xi32, #tpu.memory_space<vmem>> -> memref<128xi32, #tpu.memory_space<vmem>>
      %dma_wait3A_38 = arith.constant 0 : i32
      %dma_wait3A_39 = arith.constant 0 : i32
      %dma_wait3A_40 = tpu.memref_slice %arg12[%dma_wait3A_38, %dma_wait3A_39] : memref<10240x64xf32, #tpu.memory_space<vmem_shared>> -> memref<10240x64xf32, #tpu.memory_space<vmem_shared>>
      %dma_wait3A_41 = tpu.memref_slice %arg13[%dma_wait3A] : memref<2x!tpu.dma_semaphore, #tpu.memory_space<semaphore_mem>> -> memref<1x!tpu.dma_semaphore, #tpu.memory_space<semaphore_mem>>
      %dma_wait3A_42 = tpu.memref_squeeze %dma_wait3A_41 : memref<1x!tpu.dma_semaphore, #tpu.memory_space<semaphore_mem>> -> memref<!tpu.dma_semaphore, #tpu.memory_space<semaphore_mem>>
      tpu.wait_indirect_dma semaphore(%dma_wait3A_42 : memref<!tpu.dma_semaphore, #tpu.memory_space<semaphore_mem>>) src(%dma_wait3A_40 : memref<10240x64xf32, #tpu.memory_space<vmem_shared>>) dst(%arg9 : memref<128x64xf32, #tpu.memory_space<vmem>>)
      "tpu.region"() ({
        %run_scoped3A = tpu.sem_alloc : memref<!tpu.dma_semaphore, #tpu.memory_space<semaphore_mem>>
        %dma_start3A_67 = arith.constant 0 : i32
        %dma_start3A_68 = tpu.memref_slice %arg8[%add3A_34, %dma_start3A_67] : memref<80x128xi32, #tpu.memory_space<vmem>> -> memref<1x128xi32, #tpu.memory_space<vmem>>
        %dma_start3A_69 = tpu.memref_squeeze %dma_start3A_68 : memref<1x128xi32, #tpu.memory_space<vmem>> -> memref<128xi32, #tpu.memory_space<vmem>>
        %dma_start3A_70 = arith.constant 0 : i32
        %dma_start3A_71 = arith.constant 0 : i32
        %dma_start3A_72 = tpu.memref_slice %arg11[%dma_start3A_70, %dma_start3A_71] : memref<10240x64xf32, #tpu.memory_space<vmem_shared>> -> memref<10240x64xf32, #tpu.memory_space<vmem_shared>>
        tpu.enqueue_indirect_dma source(%arg9 : memref<128x64xf32, #tpu.memory_space<vmem>>) target(%dma_start3A_72 : memref<10240x64xf32, #tpu.memory_space<vmem_shared>>) offsets(%dma_start3A_69 : memref<128xi32, #tpu.memory_space<vmem>>) semaphore(%run_scoped3A : memref<!tpu.dma_semaphore, #tpu.memory_space<semaphore_mem>>) {add = true}
        %dma_wait3A_73 = arith.constant 0 : i32
        %dma_wait3A_74 = tpu.memref_slice %arg8[%add3A_34, %dma_wait3A_73] : memref<80x128xi32, #tpu.memory_space<vmem>> -> memref<1x128xi32, #tpu.memory_space<vmem>>
        %dma_wait3A_75 = tpu.memref_squeeze %dma_wait3A_74 : memref<1x128xi32, #tpu.memory_space<vmem>> -> memref<128xi32, #tpu.memory_space<vmem>>
        %dma_wait3A_76 = arith.constant 0 : i32
        %dma_wait3A_77 = arith.constant 0 : i32
        %dma_wait3A_78 = tpu.memref_slice %arg11[%dma_wait3A_76, %dma_wait3A_77] : memref<10240x64xf32, #tpu.memory_space<vmem_shared>> -> memref<10240x64xf32, #tpu.memory_space<vmem_shared>>
        tpu.wait_indirect_dma semaphore(%run_scoped3A : memref<!tpu.dma_semaphore, #tpu.memory_space<semaphore_mem>>) src(%arg9 : memref<128x64xf32, #tpu.memory_space<vmem>>) dst(%dma_wait3A_78 : memref<10240x64xf32, #tpu.memory_space<vmem_shared>>)
        tpu.yield
      }) : () -> ()
      %add3A_43 = arith.constant 2 : i32
      %add3A_44 = arith.addi %add3A_34, %add3A_43 : i32
      %lt3A = arith.constant 80 : i32
      %lt3A_45 = arith.cmpi slt, %add3A_44, %lt3A : i32
      %convert_element_type3A = arith.extui %lt3A_45 : i1 to i32
      %cond3A = arith.constant 0 : i32
      %cond3A_46 = arith.cmpi ne, %convert_element_type3A, %cond3A : i32
      scf.if %cond3A_46 {
        %add3A_67 = arith.constant 2 : i32
        %add3A_68 = arith.addi %add3A_34, %add3A_67 : i32
        %dma_start3A_69 = arith.constant 0 : i32
        %dma_start3A_70 = arith.constant 0 : i32
        %dma_start3A_71 = tpu.memref_slice %arg7[%add3A_68, %dma_start3A_70] : memref<80x128xi32, #tpu.memory_space<vmem>> -> memref<1x128xi32, #tpu.memory_space<vmem>>
        %dma_start3A_72 = tpu.memref_squeeze %dma_start3A_71 : memref<1x128xi32, #tpu.memory_space<vmem>> -> memref<128xi32, #tpu.memory_space<vmem>>
        %dma_start3A_73 = arith.constant 0 : i32
        %dma_start3A_74 = arith.constant 0 : i32
        %dma_start3A_75 = tpu.memref_slice %arg12[%dma_start3A_73, %dma_start3A_74] : memref<10240x64xf32, #tpu.memory_space<vmem_shared>> -> memref<10240x64xf32, #tpu.memory_space<vmem_shared>>
        %dma_start3A_76 = tpu.memref_slice %arg13[%dma_start3A_69] : memref<2x!tpu.dma_semaphore, #tpu.memory_space<semaphore_mem>> -> memref<1x!tpu.dma_semaphore, #tpu.memory_space<semaphore_mem>>
        %dma_start3A_77 = tpu.memref_squeeze %dma_start3A_76 : memref<1x!tpu.dma_semaphore, #tpu.memory_space<semaphore_mem>> -> memref<!tpu.dma_semaphore, #tpu.memory_space<semaphore_mem>>
        tpu.enqueue_indirect_dma source(%dma_start3A_75 : memref<10240x64xf32, #tpu.memory_space<vmem_shared>>) target(%arg9 : memref<128x64xf32, #tpu.memory_space<vmem>>) offsets(%dma_start3A_72 : memref<128xi32, #tpu.memory_space<vmem>>) semaphore(%dma_start3A_77 : memref<!tpu.dma_semaphore, #tpu.memory_space<semaphore_mem>>)
      } else {
      }
      %mul3A_47 = arith.constant 2 : i32
      %mul3A_48 = arith.muli %scan3A_30, %mul3A_47 : i32
      %add3A_49 = arith.constant 1 : i32
      %add3A_50 = arith.addi %mul3A_48, %add3A_49 : i32
      %dma_wait3A_51 = arith.constant 1 : i32
      %dma_wait3A_52 = arith.constant 0 : i32
      %dma_wait3A_53 = tpu.memref_slice %arg7[%add3A_50, %dma_wait3A_52] : memref<80x128xi32, #tpu.memory_space<vmem>> -> memref<1x128xi32, #tpu.memory_space<vmem>>
      %dma_wait3A_54 = tpu.memref_squeeze %dma_wait3A_53 : memref<1x128xi32, #tpu.memory_space<vmem>> -> memref<128xi32, #tpu.memory_space<vmem>>
      %dma_wait3A_55 = arith.constant 0 : i32
      %dma_wait3A_56 = arith.constant 0 : i32
      %dma_wait3A_57 = tpu.memref_slice %arg12[%dma_wait3A_55, %dma_wait3A_56] : memref<10240x64xf32, #tpu.memory_space<vmem_shared>> -> memref<10240x64xf32, #tpu.memory_space<vmem_shared>>
      %dma_wait3A_58 = tpu.memref_slice %arg13[%dma_wait3A_51] : memref<2x!tpu.dma_semaphore, #tpu.memory_space<semaphore_mem>> -> memref<1x!tpu.dma_semaphore, #tpu.memory_space<semaphore_mem>>
      %dma_wait3A_59 = tpu.memref_squeeze %dma_wait3A_58 : memref<1x!tpu.dma_semaphore, #tpu.memory_space<semaphore_mem>> -> memref<!tpu.dma_semaphore, #tpu.memory_space<semaphore_mem>>
      tpu.wait_indirect_dma semaphore(%dma_wait3A_59 : memref<!tpu.dma_semaphore, #tpu.memory_space<semaphore_mem>>) src(%dma_wait3A_57 : memref<10240x64xf32, #tpu.memory_space<vmem_shared>>) dst(%arg10 : memref<128x64xf32, #tpu.memory_space<vmem>>)
      "tpu.region"() ({
        %run_scoped3A = tpu.sem_alloc : memref<!tpu.dma_semaphore, #tpu.memory_space<semaphore_mem>>
        %dma_start3A_67 = arith.constant 0 : i32
        %dma_start3A_68 = tpu.memref_slice %arg8[%add3A_50, %dma_start3A_67] : memref<80x128xi32, #tpu.memory_space<vmem>> -> memref<1x128xi32, #tpu.memory_space<vmem>>
        %dma_start3A_69 = tpu.memref_squeeze %dma_start3A_68 : memref<1x128xi32, #tpu.memory_space<vmem>> -> memref<128xi32, #tpu.memory_space<vmem>>
        %dma_start3A_70 = arith.constant 0 : i32
        %dma_start3A_71 = arith.constant 0 : i32
        %dma_start3A_72 = tpu.memref_slice %arg11[%dma_start3A_70, %dma_start3A_71] : memref<10240x64xf32, #tpu.memory_space<vmem_shared>> -> memref<10240x64xf32, #tpu.memory_space<vmem_shared>>
        tpu.enqueue_indirect_dma source(%arg10 : memref<128x64xf32, #tpu.memory_space<vmem>>) target(%dma_start3A_72 : memref<10240x64xf32, #tpu.memory_space<vmem_shared>>) offsets(%dma_start3A_69 : memref<128xi32, #tpu.memory_space<vmem>>) semaphore(%run_scoped3A : memref<!tpu.dma_semaphore, #tpu.memory_space<semaphore_mem>>) {add = true}
        %dma_wait3A_73 = arith.constant 0 : i32
        %dma_wait3A_74 = tpu.memref_slice %arg8[%add3A_50, %dma_wait3A_73] : memref<80x128xi32, #tpu.memory_space<vmem>> -> memref<1x128xi32, #tpu.memory_space<vmem>>
        %dma_wait3A_75 = tpu.memref_squeeze %dma_wait3A_74 : memref<1x128xi32, #tpu.memory_space<vmem>> -> memref<128xi32, #tpu.memory_space<vmem>>
        %dma_wait3A_76 = arith.constant 0 : i32
        %dma_wait3A_77 = arith.constant 0 : i32
        %dma_wait3A_78 = tpu.memref_slice %arg11[%dma_wait3A_76, %dma_wait3A_77] : memref<10240x64xf32, #tpu.memory_space<vmem_shared>> -> memref<10240x64xf32, #tpu.memory_space<vmem_shared>>
        tpu.wait_indirect_dma semaphore(%run_scoped3A : memref<!tpu.dma_semaphore, #tpu.memory_space<semaphore_mem>>) src(%arg10 : memref<128x64xf32, #tpu.memory_space<vmem>>) dst(%dma_wait3A_78 : memref<10240x64xf32, #tpu.memory_space<vmem_shared>>)
        tpu.yield
      }) : () -> ()
      %add3A_60 = arith.constant 2 : i32
      %add3A_61 = arith.addi %add3A_50, %add3A_60 : i32
      %lt3A_62 = arith.constant 80 : i32
      %lt3A_63 = arith.cmpi slt, %add3A_61, %lt3A_62 : i32
      %convert_element_type3A_64 = arith.extui %lt3A_63 : i1 to i32
      %cond3A_65 = arith.constant 0 : i32
      %cond3A_66 = arith.cmpi ne, %convert_element_type3A_64, %cond3A_65 : i32
      scf.if %cond3A_66 {
        %add3A_67 = arith.constant 2 : i32
        %add3A_68 = arith.addi %add3A_50, %add3A_67 : i32
        %dma_start3A_69 = arith.constant 1 : i32
        %dma_start3A_70 = arith.constant 0 : i32
        %dma_start3A_71 = tpu.memref_slice %arg7[%add3A_68, %dma_start3A_70] : memref<80x128xi32, #tpu.memory_space<vmem>> -> memref<1x128xi32, #tpu.memory_space<vmem>>
        %dma_start3A_72 = tpu.memref_squeeze %dma_start3A_71 : memref<1x128xi32, #tpu.memory_space<vmem>> -> memref<128xi32, #tpu.memory_space<vmem>>
        %dma_start3A_73 = arith.constant 0 : i32
        %dma_start3A_74 = arith.constant 0 : i32
        %dma_start3A_75 = tpu.memref_slice %arg12[%dma_start3A_73, %dma_start3A_74] : memref<10240x64xf32, #tpu.memory_space<vmem_shared>> -> memref<10240x64xf32, #tpu.memory_space<vmem_shared>>
        %dma_start3A_76 = tpu.memref_slice %arg13[%dma_start3A_69] : memref<2x!tpu.dma_semaphore, #tpu.memory_space<semaphore_mem>> -> memref<1x!tpu.dma_semaphore, #tpu.memory_space<semaphore_mem>>
        %dma_start3A_77 = tpu.memref_squeeze %dma_start3A_76 : memref<1x!tpu.dma_semaphore, #tpu.memory_space<semaphore_mem>> -> memref<!tpu.dma_semaphore, #tpu.memory_space<semaphore_mem>>
        tpu.enqueue_indirect_dma source(%dma_start3A_75 : memref<10240x64xf32, #tpu.memory_space<vmem_shared>>) target(%arg10 : memref<128x64xf32, #tpu.memory_space<vmem>>) offsets(%dma_start3A_72 : memref<128xi32, #tpu.memory_space<vmem>>) semaphore(%dma_start3A_77 : memref<!tpu.dma_semaphore, #tpu.memory_space<semaphore_mem>>)
      } else {
      }
    }
    %scan3A_28 = arith.constant 40 : i32
    %barrier3A_29 = arith.constant 0 : index
    tpu.barrier barrier_id(%barrier3A_29)
    "tpu.region"() ({
      %run_scoped3A = tpu.sem_alloc : memref<!tpu.dma_semaphore, #tpu.memory_space<semaphore_mem>>
      %dma_start3A_30 = arith.constant 0 : i32
      %dma_start3A_31 = arith.constant 0 : i32
      %dma_start3A_32 = tpu.memref_slice %arg6[%arg0, %dma_start3A_30, %dma_start3A_31] : memref<2x10240x64xf32, #tpu.memory_space<hbm>> -> memref<1x10240x64xf32, #tpu.memory_space<hbm>>
      %dma_start3A_33 = tpu.memref_squeeze %dma_start3A_32 : memref<1x10240x64xf32, #tpu.memory_space<hbm>> -> memref<10240x64xf32, #tpu.memory_space<hbm>>
      %dma_start3A_34 = arith.constant 0 : i32
      %dma_start3A_35 = tpu.memref_slice %dma_start3A_33[%mul3A_0, %dma_start3A_34] : memref<10240x64xf32, #tpu.memory_space<hbm>> -> memref<640x64xf32, #tpu.memory_space<hbm>>
      %dma_start3A_36 = arith.constant 0 : i32
      %dma_start3A_37 = tpu.memref_slice %arg11[%mul3A_0, %dma_start3A_36] : memref<10240x64xf32, #tpu.memory_space<vmem_shared>> -> memref<640x64xf32, #tpu.memory_space<vmem_shared>>
      tpu.enqueue_dma source(%dma_start3A_37 : memref<640x64xf32, #tpu.memory_space<vmem_shared>>) target(%dma_start3A_35 : memref<640x64xf32, #tpu.memory_space<hbm>>) target_semaphore(%run_scoped3A : memref<!tpu.dma_semaphore, #tpu.memory_space<semaphore_mem>>)
      %dma_wait3A = arith.constant 0 : i32
      %dma_wait3A_38 = arith.constant 0 : i32
      %dma_wait3A_39 = tpu.memref_slice %arg6[%arg0, %dma_wait3A, %dma_wait3A_38] : memref<2x10240x64xf32, #tpu.memory_space<hbm>> -> memref<1x10240x64xf32, #tpu.memory_space<hbm>>
      %dma_wait3A_40 = tpu.memref_squeeze %dma_wait3A_39 : memref<1x10240x64xf32, #tpu.memory_space<hbm>> -> memref<10240x64xf32, #tpu.memory_space<hbm>>
      %dma_wait3A_41 = arith.constant 0 : i32
      %dma_wait3A_42 = tpu.memref_slice %dma_wait3A_40[%mul3A_0, %dma_wait3A_41] : memref<10240x64xf32, #tpu.memory_space<hbm>> -> memref<640x64xf32, #tpu.memory_space<hbm>>
      %dma_wait3A_43 = arith.constant 0 : i32
      %dma_wait3A_44 = tpu.memref_slice %arg11[%mul3A_0, %dma_wait3A_43] : memref<10240x64xf32, #tpu.memory_space<vmem_shared>> -> memref<640x64xf32, #tpu.memory_space<vmem_shared>>
      tpu.wait_dma2 semaphore(%run_scoped3A : memref<!tpu.dma_semaphore, #tpu.memory_space<semaphore_mem>>) src(%dma_wait3A_44 : memref<640x64xf32, #tpu.memory_space<vmem_shared>>) dst(%dma_wait3A_42 : memref<640x64xf32, #tpu.memory_space<hbm>>)
      tpu.yield
    }) : () -> ()
    return
  }
}

#map = affine_map<(d0, d1) -> (0, 0, 0)>
#map1 = affine_map<(d0, d1) -> (0, 0)>
module attributes {stable_mosaic.version = 14 : i64} {
  func.func @sc_fn(%arg0: i32, %arg1: i32, %arg2: memref<2x10240x64xf32, #tpu.memory_space<hbm>>, %arg3: memref<2x10240x64xf32, #tpu.memory_space<hbm>>, %arg4: memref<2560x128xi32, #tpu.memory_space<hbm>>, %arg5: memref<2560x128xi32, #tpu.memory_space<hbm>>, %arg6: memref<2x10240x64xf32, #tpu.memory_space<hbm>>, %arg7: memref<80x128xi32, #tpu.memory_space<vmem>>, %arg8: memref<80x128xi32, #tpu.memory_space<vmem>>, %arg9: memref<128x64xf32, #tpu.memory_space<vmem>>, %arg10: memref<128x64xf32, #tpu.memory_space<vmem>>, %arg11: memref<10240x64xf32, #tpu.memory_space<vmem_shared>>, %arg12: memref<10240x64xf32, #tpu.memory_space<vmem_shared>>, %arg13: memref<2x!tpu.dma_semaphore, #tpu.memory_space<semaphore_mem>>) attributes {dimension_semantics = [#tpu.dimension_semantics<core_parallel>, #tpu.dimension_semantics<subcore_parallel>], iteration_bounds = array<i64: 2, 16>, scalar_prefetch = 0 : i64, scratch_operands = 7 : i64, tpu.core_type = #tpu.core_type<sc_vector_subcore>, window_params = [{transform_indices = #map}, {transform_indices = #map}, {transform_indices = #map1}, {transform_indices = #map1}, {transform_indices = #map}]} {
    %mul3A = arith.constant 640 : i32
    %mul3A_0 = arith.muli %arg1, %mul3A : i32
    %run_scoped3A = arith.constant 1 : i32
    "tpu.region"() ({
      %run_scoped3A_31 = tpu.sem_alloc : memref<!tpu.dma_semaphore, #tpu.memory_space<semaphore_mem>>
      %dma_start3A_32 = arith.constant 0 : i32
      %dma_start3A_33 = tpu.memref_slice %arg11[%mul3A_0, %dma_start3A_32] : memref<10240x64xf32, #tpu.memory_space<vmem_shared>> -> memref<640x64xf32, #tpu.memory_space<vmem_shared>>
      %dma_start3A_34 = arith.constant 0 : i32
      %dma_start3A_35 = arith.constant 0 : i32
      %dma_start3A_36 = tpu.memref_slice %arg3[%run_scoped3A, %dma_start3A_34, %dma_start3A_35] : memref<2x10240x64xf32, #tpu.memory_space<hbm>> -> memref<1x10240x64xf32, #tpu.memory_space<hbm>>
      %dma_start3A_37 = tpu.memref_squeeze %dma_start3A_36 : memref<1x10240x64xf32, #tpu.memory_space<hbm>> -> memref<10240x64xf32, #tpu.memory_space<hbm>>
      %dma_start3A_38 = arith.constant 0 : i32
      %dma_start3A_39 = tpu.memref_slice %dma_start3A_37[%mul3A_0, %dma_start3A_38] : memref<10240x64xf32, #tpu.memory_space<hbm>> -> memref<640x64xf32, #tpu.memory_space<hbm>>
      tpu.enqueue_dma source(%dma_start3A_39 : memref<640x64xf32, #tpu.memory_space<hbm>>) target(%dma_start3A_33 : memref<640x64xf32, #tpu.memory_space<vmem_shared>>) target_semaphore(%run_scoped3A_31 : memref<!tpu.dma_semaphore, #tpu.memory_space<semaphore_mem>>)
      %dma_wait3A = arith.constant 0 : i32
      %dma_wait3A_40 = tpu.memref_slice %arg11[%mul3A_0, %dma_wait3A] : memref<10240x64xf32, #tpu.memory_space<vmem_shared>> -> memref<640x64xf32, #tpu.memory_space<vmem_shared>>
      %dma_wait3A_41 = arith.constant 0 : i32
      %dma_wait3A_42 = arith.constant 0 : i32
      %dma_wait3A_43 = tpu.memref_slice %arg3[%run_scoped3A, %dma_wait3A_41, %dma_wait3A_42] : memref<2x10240x64xf32, #tpu.memory_space<hbm>> -> memref<1x10240x64xf32, #tpu.memory_space<hbm>>
      %dma_wait3A_44 = tpu.memref_squeeze %dma_wait3A_43 : memref<1x10240x64xf32, #tpu.memory_space<hbm>> -> memref<10240x64xf32, #tpu.memory_space<hbm>>
      %dma_wait3A_45 = arith.constant 0 : i32
      %dma_wait3A_46 = tpu.memref_slice %dma_wait3A_44[%mul3A_0, %dma_wait3A_45] : memref<10240x64xf32, #tpu.memory_space<hbm>> -> memref<640x64xf32, #tpu.memory_space<hbm>>
      tpu.wait_dma2 semaphore(%run_scoped3A_31 : memref<!tpu.dma_semaphore, #tpu.memory_space<semaphore_mem>>) src(%dma_wait3A_46 : memref<640x64xf32, #tpu.memory_space<hbm>>) dst(%dma_wait3A_40 : memref<640x64xf32, #tpu.memory_space<vmem_shared>>)
      tpu.yield
    }) : () -> ()
    %run_scoped3A_1 = arith.constant 1 : i32
    "tpu.region"() ({
      %run_scoped3A_31 = tpu.sem_alloc : memref<!tpu.dma_semaphore, #tpu.memory_space<semaphore_mem>>
      %dma_start3A_32 = arith.constant 0 : i32
      %dma_start3A_33 = tpu.memref_slice %arg12[%mul3A_0, %dma_start3A_32] : memref<10240x64xf32, #tpu.memory_space<vmem_shared>> -> memref<640x64xf32, #tpu.memory_space<vmem_shared>>
      %dma_start3A_34 = arith.constant 0 : i32
      %dma_start3A_35 = arith.constant 0 : i32
      %dma_start3A_36 = tpu.memref_slice %arg2[%run_scoped3A_1, %dma_start3A_34, %dma_start3A_35] : memref<2x10240x64xf32, #tpu.memory_space<hbm>> -> memref<1x10240x64xf32, #tpu.memory_space<hbm>>
      %dma_start3A_37 = tpu.memref_squeeze %dma_start3A_36 : memref<1x10240x64xf32, #tpu.memory_space<hbm>> -> memref<10240x64xf32, #tpu.memory_space<hbm>>
      %dma_start3A_38 = arith.constant 0 : i32
      %dma_start3A_39 = tpu.memref_slice %dma_start3A_37[%mul3A_0, %dma_start3A_38] : memref<10240x64xf32, #tpu.memory_space<hbm>> -> memref<640x64xf32, #tpu.memory_space<hbm>>
      tpu.enqueue_dma source(%dma_start3A_39 : memref<640x64xf32, #tpu.memory_space<hbm>>) target(%dma_start3A_33 : memref<640x64xf32, #tpu.memory_space<vmem_shared>>) target_semaphore(%run_scoped3A_31 : memref<!tpu.dma_semaphore, #tpu.memory_space<semaphore_mem>>)
      %dma_wait3A = arith.constant 0 : i32
      %dma_wait3A_40 = tpu.memref_slice %arg12[%mul3A_0, %dma_wait3A] : memref<10240x64xf32, #tpu.memory_space<vmem_shared>> -> memref<640x64xf32, #tpu.memory_space<vmem_shared>>
      %dma_wait3A_41 = arith.constant 0 : i32
      %dma_wait3A_42 = arith.constant 0 : i32
      %dma_wait3A_43 = tpu.memref_slice %arg2[%run_scoped3A_1, %dma_wait3A_41, %dma_wait3A_42] : memref<2x10240x64xf32, #tpu.memory_space<hbm>> -> memref<1x10240x64xf32, #tpu.memory_space<hbm>>
      %dma_wait3A_44 = tpu.memref_squeeze %dma_wait3A_43 : memref<1x10240x64xf32, #tpu.memory_space<hbm>> -> memref<10240x64xf32, #tpu.memory_space<hbm>>
      %dma_wait3A_45 = arith.constant 0 : i32
      %dma_wait3A_46 = tpu.memref_slice %dma_wait3A_44[%mul3A_0, %dma_wait3A_45] : memref<10240x64xf32, #tpu.memory_space<hbm>> -> memref<640x64xf32, #tpu.memory_space<hbm>>
      tpu.wait_dma2 semaphore(%run_scoped3A_31 : memref<!tpu.dma_semaphore, #tpu.memory_space<semaphore_mem>>) src(%dma_wait3A_46 : memref<640x64xf32, #tpu.memory_space<hbm>>) dst(%dma_wait3A_40 : memref<640x64xf32, #tpu.memory_space<vmem_shared>>)
      tpu.yield
    }) : () -> ()
    %mul3A_2 = arith.constant 16 : i32
    %mul3A_3 = arith.muli %arg0, %mul3A_2 : i32
    %add3A = arith.addi %mul3A_3, %arg1 : i32
    %mul3A_4 = arith.constant 80 : i32
    %mul3A_5 = arith.muli %add3A, %mul3A_4 : i32
    "tpu.region"() ({
      %run_scoped3A_31 = tpu.sem_alloc : memref<!tpu.dma_semaphore, #tpu.memory_space<semaphore_mem>>
      %dma_start3A_32 = arith.constant 0 : i32
      %dma_start3A_33 = tpu.memref_slice %arg4[%mul3A_5, %dma_start3A_32] : memref<2560x128xi32, #tpu.memory_space<hbm>> -> memref<80x128xi32, #tpu.memory_space<hbm>>
      %dma_start3A_34 = arith.constant 0 : i32
      %dma_start3A_35 = tpu.memref_slice %arg4[%mul3A_5, %dma_start3A_34] : memref<2560x128xi32, #tpu.memory_space<hbm>> -> memref<80x128xi32, #tpu.memory_space<hbm>>
      tpu.enqueue_dma source(%dma_start3A_35 : memref<80x128xi32, #tpu.memory_space<hbm>>) target(%arg7 : memref<80x128xi32, #tpu.memory_space<vmem>>) target_semaphore(%run_scoped3A_31 : memref<!tpu.dma_semaphore, #tpu.memory_space<semaphore_mem>>)
      %dma_wait3A = arith.constant 0 : i32
      %dma_wait3A_36 = tpu.memref_slice %arg4[%mul3A_5, %dma_wait3A] : memref<2560x128xi32, #tpu.memory_space<hbm>> -> memref<80x128xi32, #tpu.memory_space<hbm>>
      %dma_wait3A_37 = arith.constant 0 : i32
      %dma_wait3A_38 = tpu.memref_slice %arg4[%mul3A_5, %dma_wait3A_37] : memref<2560x128xi32, #tpu.memory_space<hbm>> -> memref<80x128xi32, #tpu.memory_space<hbm>>
      tpu.wait_dma2 semaphore(%run_scoped3A_31 : memref<!tpu.dma_semaphore, #tpu.memory_space<semaphore_mem>>) src(%dma_wait3A_38 : memref<80x128xi32, #tpu.memory_space<hbm>>) dst(%arg7 : memref<80x128xi32, #tpu.memory_space<vmem>>)
      tpu.yield
    }) : () -> ()
    "tpu.region"() ({
      %run_scoped3A_31 = tpu.sem_alloc : memref<!tpu.dma_semaphore, #tpu.memory_space<semaphore_mem>>
      %dma_start3A_32 = arith.constant 0 : i32
      %dma_start3A_33 = tpu.memref_slice %arg5[%mul3A_5, %dma_start3A_32] : memref<2560x128xi32, #tpu.memory_space<hbm>> -> memref<80x128xi32, #tpu.memory_space<hbm>>
      %dma_start3A_34 = arith.constant 0 : i32
      %dma_start3A_35 = tpu.memref_slice %arg5[%mul3A_5, %dma_start3A_34] : memref<2560x128xi32, #tpu.memory_space<hbm>> -> memref<80x128xi32, #tpu.memory_space<hbm>>
      tpu.enqueue_dma source(%dma_start3A_35 : memref<80x128xi32, #tpu.memory_space<hbm>>) target(%arg8 : memref<80x128xi32, #tpu.memory_space<vmem>>) target_semaphore(%run_scoped3A_31 : memref<!tpu.dma_semaphore, #tpu.memory_space<semaphore_mem>>)
      %dma_wait3A = arith.constant 0 : i32
      %dma_wait3A_36 = tpu.memref_slice %arg5[%mul3A_5, %dma_wait3A] : memref<2560x128xi32, #tpu.memory_space<hbm>> -> memref<80x128xi32, #tpu.memory_space<hbm>>
      %dma_wait3A_37 = arith.constant 0 : i32
      %dma_wait3A_38 = tpu.memref_slice %arg5[%mul3A_5, %dma_wait3A_37] : memref<2560x128xi32, #tpu.memory_space<hbm>> -> memref<80x128xi32, #tpu.memory_space<hbm>>
      tpu.wait_dma2 semaphore(%run_scoped3A_31 : memref<!tpu.dma_semaphore, #tpu.memory_space<semaphore_mem>>) src(%dma_wait3A_38 : memref<80x128xi32, #tpu.memory_space<hbm>>) dst(%arg8 : memref<80x128xi32, #tpu.memory_space<vmem>>)
      tpu.yield
    }) : () -> ()
    %barrier3A = arith.constant 0 : index
    tpu.barrier barrier_id(%barrier3A)
    %dma_start3A = arith.constant 0 : i32
    %dma_start3A_6 = arith.constant 0 : i32
    %dma_start3A_7 = arith.constant 0 : i32
    %dma_start3A_8 = tpu.memref_slice %arg7[%dma_start3A, %dma_start3A_7] : memref<80x128xi32, #tpu.memory_space<vmem>> -> memref<1x128xi32, #tpu.memory_space<vmem>>
    %dma_start3A_9 = tpu.memref_squeeze %dma_start3A_8 : memref<1x128xi32, #tpu.memory_space<vmem>> -> memref<128xi32, #tpu.memory_space<vmem>>
    %dma_start3A_10 = arith.constant 0 : i32
    %dma_start3A_11 = arith.constant 0 : i32
    %dma_start3A_12 = tpu.memref_slice %arg12[%dma_start3A_10, %dma_start3A_11] : memref<10240x64xf32, #tpu.memory_space<vmem_shared>> -> memref<10240x64xf32, #tpu.memory_space<vmem_shared>>
    %dma_start3A_13 = tpu.memref_slice %arg13[%dma_start3A_6] : memref<2x!tpu.dma_semaphore, #tpu.memory_space<semaphore_mem>> -> memref<1x!tpu.dma_semaphore, #tpu.memory_space<semaphore_mem>>
    %dma_start3A_14 = tpu.memref_squeeze %dma_start3A_13 : memref<1x!tpu.dma_semaphore, #tpu.memory_space<semaphore_mem>> -> memref<!tpu.dma_semaphore, #tpu.memory_space<semaphore_mem>>
    tpu.enqueue_indirect_dma source(%dma_start3A_12 : memref<10240x64xf32, #tpu.memory_space<vmem_shared>>) target(%arg9 : memref<128x64xf32, #tpu.memory_space<vmem>>) offsets(%dma_start3A_9 : memref<128xi32, #tpu.memory_space<vmem>>) semaphore(%dma_start3A_14 : memref<!tpu.dma_semaphore, #tpu.memory_space<semaphore_mem>>)
    %dma_start3A_15 = arith.constant 1 : i32
    %dma_start3A_16 = arith.constant 1 : i32
    %dma_start3A_17 = arith.constant 0 : i32
    %dma_start3A_18 = tpu.memref_slice %arg7[%dma_start3A_15, %dma_start3A_17] : memref<80x128xi32, #tpu.memory_space<vmem>> -> memref<1x128xi32, #tpu.memory_space<vmem>>
    %dma_start3A_19 = tpu.memref_squeeze %dma_start3A_18 : memref<1x128xi32, #tpu.memory_space<vmem>> -> memref<128xi32, #tpu.memory_space<vmem>>
    %dma_start3A_20 = arith.constant 0 : i32
    %dma_start3A_21 = arith.constant 0 : i32
    %dma_start3A_22 = tpu.memref_slice %arg12[%dma_start3A_20, %dma_start3A_21] : memref<10240x64xf32, #tpu.memory_space<vmem_shared>> -> memref<10240x64xf32, #tpu.memory_space<vmem_shared>>
    %dma_start3A_23 = tpu.memref_slice %arg13[%dma_start3A_16] : memref<2x!tpu.dma_semaphore, #tpu.memory_space<semaphore_mem>> -> memref<1x!tpu.dma_semaphore, #tpu.memory_space<semaphore_mem>>
    %dma_start3A_24 = tpu.memref_squeeze %dma_start3A_23 : memref<1x!tpu.dma_semaphore, #tpu.memory_space<semaphore_mem>> -> memref<!tpu.dma_semaphore, #tpu.memory_space<semaphore_mem>>
    tpu.enqueue_indirect_dma source(%dma_start3A_22 : memref<10240x64xf32, #tpu.memory_space<vmem_shared>>) target(%arg10 : memref<128x64xf32, #tpu.memory_space<vmem>>) offsets(%dma_start3A_19 : memref<128xi32, #tpu.memory_space<vmem>>) semaphore(%dma_start3A_24 : memref<!tpu.dma_semaphore, #tpu.memory_space<semaphore_mem>>)
    %scan3A = arith.constant 0 : i32
    %scan3A_25 = arith.constant 0 : i32
    %scan3A_26 = arith.constant 40 : i32
    %scan3A_27 = arith.addi %scan3A_25, %scan3A_26 : i32
    %scan3A_28 = arith.constant 1 : i32
    scf.for %scan3A_31 = %scan3A_25 to %scan3A_27 step %scan3A_28  : i32 {
      %mul3A_32 = arith.constant 2 : i32
      %mul3A_33 = arith.muli %scan3A_31, %mul3A_32 : i32
      %add3A_34 = arith.constant 0 : i32
      %add3A_35 = arith.addi %mul3A_33, %add3A_34 : i32
      %dma_wait3A = arith.constant 0 : i32
      %dma_wait3A_36 = arith.constant 0 : i32
      %dma_wait3A_37 = tpu.memref_slice %arg7[%add3A_35, %dma_wait3A_36] : memref<80x128xi32, #tpu.memory_space<vmem>> -> memref<1x128xi32, #tpu.memory_space<vmem>>
      %dma_wait3A_38 = tpu.memref_squeeze %dma_wait3A_37 : memref<1x128xi32, #tpu.memory_space<vmem>> -> memref<128xi32, #tpu.memory_space<vmem>>
      %dma_wait3A_39 = arith.constant 0 : i32
      %dma_wait3A_40 = arith.constant 0 : i32
      %dma_wait3A_41 = tpu.memref_slice %arg12[%dma_wait3A_39, %dma_wait3A_40] : memref<10240x64xf32, #tpu.memory_space<vmem_shared>> -> memref<10240x64xf32, #tpu.memory_space<vmem_shared>>
      %dma_wait3A_42 = tpu.memref_slice %arg13[%dma_wait3A] : memref<2x!tpu.dma_semaphore, #tpu.memory_space<semaphore_mem>> -> memref<1x!tpu.dma_semaphore, #tpu.memory_space<semaphore_mem>>
      %dma_wait3A_43 = tpu.memref_squeeze %dma_wait3A_42 : memref<1x!tpu.dma_semaphore, #tpu.memory_space<semaphore_mem>> -> memref<!tpu.dma_semaphore, #tpu.memory_space<semaphore_mem>>
      tpu.wait_indirect_dma semaphore(%dma_wait3A_43 : memref<!tpu.dma_semaphore, #tpu.memory_space<semaphore_mem>>) src(%dma_wait3A_41 : memref<10240x64xf32, #tpu.memory_space<vmem_shared>>) dst(%arg9 : memref<128x64xf32, #tpu.memory_space<vmem>>)
      "tpu.region"() ({
        %run_scoped3A_68 = tpu.sem_alloc : memref<!tpu.dma_semaphore, #tpu.memory_space<semaphore_mem>>
        %dma_start3A_69 = arith.constant 0 : i32
        %dma_start3A_70 = tpu.memref_slice %arg8[%add3A_35, %dma_start3A_69] : memref<80x128xi32, #tpu.memory_space<vmem>> -> memref<1x128xi32, #tpu.memory_space<vmem>>
        %dma_start3A_71 = tpu.memref_squeeze %dma_start3A_70 : memref<1x128xi32, #tpu.memory_space<vmem>> -> memref<128xi32, #tpu.memory_space<vmem>>
        %dma_start3A_72 = arith.constant 0 : i32
        %dma_start3A_73 = arith.constant 0 : i32
        %dma_start3A_74 = tpu.memref_slice %arg11[%dma_start3A_72, %dma_start3A_73] : memref<10240x64xf32, #tpu.memory_space<vmem_shared>> -> memref<10240x64xf32, #tpu.memory_space<vmem_shared>>
        tpu.enqueue_indirect_dma source(%arg9 : memref<128x64xf32, #tpu.memory_space<vmem>>) target(%dma_start3A_74 : memref<10240x64xf32, #tpu.memory_space<vmem_shared>>) offsets(%dma_start3A_71 : memref<128xi32, #tpu.memory_space<vmem>>) semaphore(%run_scoped3A_68 : memref<!tpu.dma_semaphore, #tpu.memory_space<semaphore_mem>>) {add = true}
        %dma_wait3A_75 = arith.constant 0 : i32
        %dma_wait3A_76 = tpu.memref_slice %arg8[%add3A_35, %dma_wait3A_75] : memref<80x128xi32, #tpu.memory_space<vmem>> -> memref<1x128xi32, #tpu.memory_space<vmem>>
        %dma_wait3A_77 = tpu.memref_squeeze %dma_wait3A_76 : memref<1x128xi32, #tpu.memory_space<vmem>> -> memref<128xi32, #tpu.memory_space<vmem>>
        %dma_wait3A_78 = arith.constant 0 : i32
        %dma_wait3A_79 = arith.constant 0 : i32
        %dma_wait3A_80 = tpu.memref_slice %arg11[%dma_wait3A_78, %dma_wait3A_79] : memref<10240x64xf32, #tpu.memory_space<vmem_shared>> -> memref<10240x64xf32, #tpu.memory_space<vmem_shared>>
        tpu.wait_indirect_dma semaphore(%run_scoped3A_68 : memref<!tpu.dma_semaphore, #tpu.memory_space<semaphore_mem>>) src(%arg9 : memref<128x64xf32, #tpu.memory_space<vmem>>) dst(%dma_wait3A_80 : memref<10240x64xf32, #tpu.memory_space<vmem_shared>>)
        tpu.yield
      }) : () -> ()
      %add3A_44 = arith.constant 2 : i32
      %add3A_45 = arith.addi %add3A_35, %add3A_44 : i32
      %lt3A = arith.constant 80 : i32
      %lt3A_46 = arith.cmpi slt, %add3A_45, %lt3A : i32
      %convert_element_type3A = arith.extui %lt3A_46 : i1 to i32
      %cond3A = arith.constant 0 : i32
      %cond3A_47 = arith.cmpi ne, %convert_element_type3A, %cond3A : i32
      scf.if %cond3A_47 {
        %add3A_68 = arith.constant 2 : i32
        %add3A_69 = arith.addi %add3A_35, %add3A_68 : i32
        %dma_start3A_70 = arith.constant 0 : i32
        %dma_start3A_71 = arith.constant 0 : i32
        %dma_start3A_72 = tpu.memref_slice %arg7[%add3A_69, %dma_start3A_71] : memref<80x128xi32, #tpu.memory_space<vmem>> -> memref<1x128xi32, #tpu.memory_space<vmem>>
        %dma_start3A_73 = tpu.memref_squeeze %dma_start3A_72 : memref<1x128xi32, #tpu.memory_space<vmem>> -> memref<128xi32, #tpu.memory_space<vmem>>
        %dma_start3A_74 = arith.constant 0 : i32
        %dma_start3A_75 = arith.constant 0 : i32
        %dma_start3A_76 = tpu.memref_slice %arg12[%dma_start3A_74, %dma_start3A_75] : memref<10240x64xf32, #tpu.memory_space<vmem_shared>> -> memref<10240x64xf32, #tpu.memory_space<vmem_shared>>
        %dma_start3A_77 = tpu.memref_slice %arg13[%dma_start3A_70] : memref<2x!tpu.dma_semaphore, #tpu.memory_space<semaphore_mem>> -> memref<1x!tpu.dma_semaphore, #tpu.memory_space<semaphore_mem>>
        %dma_start3A_78 = tpu.memref_squeeze %dma_start3A_77 : memref<1x!tpu.dma_semaphore, #tpu.memory_space<semaphore_mem>> -> memref<!tpu.dma_semaphore, #tpu.memory_space<semaphore_mem>>
        tpu.enqueue_indirect_dma source(%dma_start3A_76 : memref<10240x64xf32, #tpu.memory_space<vmem_shared>>) target(%arg9 : memref<128x64xf32, #tpu.memory_space<vmem>>) offsets(%dma_start3A_73 : memref<128xi32, #tpu.memory_space<vmem>>) semaphore(%dma_start3A_78 : memref<!tpu.dma_semaphore, #tpu.memory_space<semaphore_mem>>)
      } else {
      }
      %mul3A_48 = arith.constant 2 : i32
      %mul3A_49 = arith.muli %scan3A_31, %mul3A_48 : i32
      %add3A_50 = arith.constant 1 : i32
      %add3A_51 = arith.addi %mul3A_49, %add3A_50 : i32
      %dma_wait3A_52 = arith.constant 1 : i32
      %dma_wait3A_53 = arith.constant 0 : i32
      %dma_wait3A_54 = tpu.memref_slice %arg7[%add3A_51, %dma_wait3A_53] : memref<80x128xi32, #tpu.memory_space<vmem>> -> memref<1x128xi32, #tpu.memory_space<vmem>>
      %dma_wait3A_55 = tpu.memref_squeeze %dma_wait3A_54 : memref<1x128xi32, #tpu.memory_space<vmem>> -> memref<128xi32, #tpu.memory_space<vmem>>
      %dma_wait3A_56 = arith.constant 0 : i32
      %dma_wait3A_57 = arith.constant 0 : i32
      %dma_wait3A_58 = tpu.memref_slice %arg12[%dma_wait3A_56, %dma_wait3A_57] : memref<10240x64xf32, #tpu.memory_space<vmem_shared>> -> memref<10240x64xf32, #tpu.memory_space<vmem_shared>>
      %dma_wait3A_59 = tpu.memref_slice %arg13[%dma_wait3A_52] : memref<2x!tpu.dma_semaphore, #tpu.memory_space<semaphore_mem>> -> memref<1x!tpu.dma_semaphore, #tpu.memory_space<semaphore_mem>>
      %dma_wait3A_60 = tpu.memref_squeeze %dma_wait3A_59 : memref<1x!tpu.dma_semaphore, #tpu.memory_space<semaphore_mem>> -> memref<!tpu.dma_semaphore, #tpu.memory_space<semaphore_mem>>
      tpu.wait_indirect_dma semaphore(%dma_wait3A_60 : memref<!tpu.dma_semaphore, #tpu.memory_space<semaphore_mem>>) src(%dma_wait3A_58 : memref<10240x64xf32, #tpu.memory_space<vmem_shared>>) dst(%arg10 : memref<128x64xf32, #tpu.memory_space<vmem>>)
      "tpu.region"() ({
        %run_scoped3A_68 = tpu.sem_alloc : memref<!tpu.dma_semaphore, #tpu.memory_space<semaphore_mem>>
        %dma_start3A_69 = arith.constant 0 : i32
        %dma_start3A_70 = tpu.memref_slice %arg8[%add3A_51, %dma_start3A_69] : memref<80x128xi32, #tpu.memory_space<vmem>> -> memref<1x128xi32, #tpu.memory_space<vmem>>
        %dma_start3A_71 = tpu.memref_squeeze %dma_start3A_70 : memref<1x128xi32, #tpu.memory_space<vmem>> -> memref<128xi32, #tpu.memory_space<vmem>>
        %dma_start3A_72 = arith.constant 0 : i32
        %dma_start3A_73 = arith.constant 0 : i32
        %dma_start3A_74 = tpu.memref_slice %arg11[%dma_start3A_72, %dma_start3A_73] : memref<10240x64xf32, #tpu.memory_space<vmem_shared>> -> memref<10240x64xf32, #tpu.memory_space<vmem_shared>>
        tpu.enqueue_indirect_dma source(%arg10 : memref<128x64xf32, #tpu.memory_space<vmem>>) target(%dma_start3A_74 : memref<10240x64xf32, #tpu.memory_space<vmem_shared>>) offsets(%dma_start3A_71 : memref<128xi32, #tpu.memory_space<vmem>>) semaphore(%run_scoped3A_68 : memref<!tpu.dma_semaphore, #tpu.memory_space<semaphore_mem>>) {add = true}
        %dma_wait3A_75 = arith.constant 0 : i32
        %dma_wait3A_76 = tpu.memref_slice %arg8[%add3A_51, %dma_wait3A_75] : memref<80x128xi32, #tpu.memory_space<vmem>> -> memref<1x128xi32, #tpu.memory_space<vmem>>
        %dma_wait3A_77 = tpu.memref_squeeze %dma_wait3A_76 : memref<1x128xi32, #tpu.memory_space<vmem>> -> memref<128xi32, #tpu.memory_space<vmem>>
        %dma_wait3A_78 = arith.constant 0 : i32
        %dma_wait3A_79 = arith.constant 0 : i32
        %dma_wait3A_80 = tpu.memref_slice %arg11[%dma_wait3A_78, %dma_wait3A_79] : memref<10240x64xf32, #tpu.memory_space<vmem_shared>> -> memref<10240x64xf32, #tpu.memory_space<vmem_shared>>
        tpu.wait_indirect_dma semaphore(%run_scoped3A_68 : memref<!tpu.dma_semaphore, #tpu.memory_space<semaphore_mem>>) src(%arg10 : memref<128x64xf32, #tpu.memory_space<vmem>>) dst(%dma_wait3A_80 : memref<10240x64xf32, #tpu.memory_space<vmem_shared>>)
        tpu.yield
      }) : () -> ()
      %add3A_61 = arith.constant 2 : i32
      %add3A_62 = arith.addi %add3A_51, %add3A_61 : i32
      %lt3A_63 = arith.constant 80 : i32
      %lt3A_64 = arith.cmpi slt, %add3A_62, %lt3A_63 : i32
      %convert_element_type3A_65 = arith.extui %lt3A_64 : i1 to i32
      %cond3A_66 = arith.constant 0 : i32
      %cond3A_67 = arith.cmpi ne, %convert_element_type3A_65, %cond3A_66 : i32
      scf.if %cond3A_67 {
        %add3A_68 = arith.constant 2 : i32
        %add3A_69 = arith.addi %add3A_51, %add3A_68 : i32
        %dma_start3A_70 = arith.constant 1 : i32
        %dma_start3A_71 = arith.constant 0 : i32
        %dma_start3A_72 = tpu.memref_slice %arg7[%add3A_69, %dma_start3A_71] : memref<80x128xi32, #tpu.memory_space<vmem>> -> memref<1x128xi32, #tpu.memory_space<vmem>>
        %dma_start3A_73 = tpu.memref_squeeze %dma_start3A_72 : memref<1x128xi32, #tpu.memory_space<vmem>> -> memref<128xi32, #tpu.memory_space<vmem>>
        %dma_start3A_74 = arith.constant 0 : i32
        %dma_start3A_75 = arith.constant 0 : i32
        %dma_start3A_76 = tpu.memref_slice %arg12[%dma_start3A_74, %dma_start3A_75] : memref<10240x64xf32, #tpu.memory_space<vmem_shared>> -> memref<10240x64xf32, #tpu.memory_space<vmem_shared>>
        %dma_start3A_77 = tpu.memref_slice %arg13[%dma_start3A_70] : memref<2x!tpu.dma_semaphore, #tpu.memory_space<semaphore_mem>> -> memref<1x!tpu.dma_semaphore, #tpu.memory_space<semaphore_mem>>
        %dma_start3A_78 = tpu.memref_squeeze %dma_start3A_77 : memref<1x!tpu.dma_semaphore, #tpu.memory_space<semaphore_mem>> -> memref<!tpu.dma_semaphore, #tpu.memory_space<semaphore_mem>>
        tpu.enqueue_indirect_dma source(%dma_start3A_76 : memref<10240x64xf32, #tpu.memory_space<vmem_shared>>) target(%arg10 : memref<128x64xf32, #tpu.memory_space<vmem>>) offsets(%dma_start3A_73 : memref<128xi32, #tpu.memory_space<vmem>>) semaphore(%dma_start3A_78 : memref<!tpu.dma_semaphore, #tpu.memory_space<semaphore_mem>>)
      } else {
      }
    }
    %scan3A_29 = arith.constant 40 : i32
    %barrier3A_30 = arith.constant 0 : index
    tpu.barrier barrier_id(%barrier3A_30)
    "tpu.region"() ({
      %run_scoped3A_31 = tpu.sem_alloc : memref<!tpu.dma_semaphore, #tpu.memory_space<semaphore_mem>>
      %dma_start3A_32 = arith.constant 0 : i32
      %dma_start3A_33 = arith.constant 0 : i32
      %dma_start3A_34 = tpu.memref_slice %arg6[%arg0, %dma_start3A_32, %dma_start3A_33] : memref<2x10240x64xf32, #tpu.memory_space<hbm>> -> memref<1x10240x64xf32, #tpu.memory_space<hbm>>
      %dma_start3A_35 = tpu.memref_squeeze %dma_start3A_34 : memref<1x10240x64xf32, #tpu.memory_space<hbm>> -> memref<10240x64xf32, #tpu.memory_space<hbm>>
      %dma_start3A_36 = arith.constant 0 : i32
      %dma_start3A_37 = tpu.memref_slice %dma_start3A_35[%mul3A_0, %dma_start3A_36] : memref<10240x64xf32, #tpu.memory_space<hbm>> -> memref<640x64xf32, #tpu.memory_space<hbm>>
      %dma_start3A_38 = arith.constant 0 : i32
      %dma_start3A_39 = tpu.memref_slice %arg11[%mul3A_0, %dma_start3A_38] : memref<10240x64xf32, #tpu.memory_space<vmem_shared>> -> memref<640x64xf32, #tpu.memory_space<vmem_shared>>
      tpu.enqueue_dma source(%dma_start3A_39 : memref<640x64xf32, #tpu.memory_space<vmem_shared>>) target(%dma_start3A_37 : memref<640x64xf32, #tpu.memory_space<hbm>>) target_semaphore(%run_scoped3A_31 : memref<!tpu.dma_semaphore, #tpu.memory_space<semaphore_mem>>)
      %dma_wait3A = arith.constant 0 : i32
      %dma_wait3A_40 = arith.constant 0 : i32
      %dma_wait3A_41 = tpu.memref_slice %arg6[%arg0, %dma_wait3A, %dma_wait3A_40] : memref<2x10240x64xf32, #tpu.memory_space<hbm>> -> memref<1x10240x64xf32, #tpu.memory_space<hbm>>
      %dma_wait3A_42 = tpu.memref_squeeze %dma_wait3A_41 : memref<1x10240x64xf32, #tpu.memory_space<hbm>> -> memref<10240x64xf32, #tpu.memory_space<hbm>>
      %dma_wait3A_43 = arith.constant 0 : i32
      %dma_wait3A_44 = tpu.memref_slice %dma_wait3A_42[%mul3A_0, %dma_wait3A_43] : memref<10240x64xf32, #tpu.memory_space<hbm>> -> memref<640x64xf32, #tpu.memory_space<hbm>>
      %dma_wait3A_45 = arith.constant 0 : i32
      %dma_wait3A_46 = tpu.memref_slice %arg11[%mul3A_0, %dma_wait3A_45] : memref<10240x64xf32, #tpu.memory_space<vmem_shared>> -> memref<640x64xf32, #tpu.memory_space<vmem_shared>>
      tpu.wait_dma2 semaphore(%run_scoped3A_31 : memref<!tpu.dma_semaphore, #tpu.memory_space<semaphore_mem>>) src(%dma_wait3A_46 : memref<640x64xf32, #tpu.memory_space<vmem_shared>>) dst(%dma_wait3A_44 : memref<640x64xf32, #tpu.memory_space<hbm>>)
      tpu.yield
    }) : () -> ()
    return
  }
}

module attributes {stable_mosaic.version = 14 : i64} {
  func.func @_tc1_body(%arg0: i32, %arg1: memref<512x128xf32, #tpu.memory_space<vmem>>, %arg2: memref<128x128xf32, #tpu.memory_space<vmem>>, %arg3: memref<128x128xf32, #tpu.memory_space<vmem>>, %arg4: memref<1x128xf32, #tpu.memory_space<vmem>>, %arg5: memref<2x512x64xf32, #tpu.memory_space<vmem>>, %arg6: memref<2x512x64xf32, #tpu.memory_space<vmem>>) attributes {dimension_semantics = [#tpu.dimension_semantics<arbitrary>], iteration_bounds = array<i64: 20>, scalar_prefetch = 0 : i64, scratch_operands = 0 : i64, tpu.core_type = #tpu.core_type<tc>, window_params = [{transform_indices = @transform_0, window_bounds = array<i64: 512, 128>}, {pipeline_mode = #tpu.pipeline_mode<synchronous>, transform_indices = @transform_1, window_bounds = array<i64: 128, 128>}, {pipeline_mode = #tpu.pipeline_mode<synchronous>, transform_indices = @transform_2, window_bounds = array<i64: 128, 128>}, {pipeline_mode = #tpu.pipeline_mode<synchronous>, transform_indices = @transform_3, window_bounds = array<i64: 1, 128>}, {transform_indices = @transform_4, window_bounds = array<i64: 2, 512, 64>}, {transform_indices = @transform_5, window_bounds = array<i64: 2, 512, 64>}]} {
    %get3A = arith.constant 0 : index
    %get3A_0 = arith.constant 0 : index
    %get3A_1 = vector.load %arg1[%get3A, %get3A_0] : memref<512x128xf32, #tpu.memory_space<vmem>>, vector<512x128xf32>
    %get3A_2 = arith.constant 0 : index
    %get3A_3 = arith.constant 0 : index
    %get3A_4 = vector.load %arg2[%get3A_2, %get3A_3] : memref<128x128xf32, #tpu.memory_space<vmem>>, vector<128x128xf32>
    %dot_general3A = arith.constant dense<0.000000e+00> : vector<512x128xf32>
    %dot_general3A_5 = tpu.matmul %get3A_1, %get3A_4, %dot_general3A {dimension_numbers = #tpu.dot_dimension_numbers<[1], [0], [0], [1], [0, 0, 1, 1], [], []>, transpose_lhs_hint = false} : vector<512x128xf32>, vector<128x128xf32>, vector<512x128xf32> -> vector<512x128xf32>
    %get3A_6 = arith.constant 0 : index
    %get3A_7 = arith.constant 0 : index
    %get3A_8 = vector.load %arg3[%get3A_6, %get3A_7] : memref<128x128xf32, #tpu.memory_space<vmem>>, vector<128x128xf32>
    %dot_general3A_9 = arith.constant dense<0.000000e+00> : vector<512x128xf32>
    %dot_general3A_10 = tpu.matmul %get3A_1, %get3A_8, %dot_general3A_9 {dimension_numbers = #tpu.dot_dimension_numbers<[1], [0], [0], [1], [0, 0, 1, 1], [], []>, transpose_lhs_hint = false} : vector<512x128xf32>, vector<128x128xf32>, vector<512x128xf32> -> vector<512x128xf32>
    %get3A_11 = arith.constant 0 : index
    %get3A_12 = arith.constant 0 : index
    %get3A_13 = vector.load %arg4[%get3A_11, %get3A_12] : memref<1x128xf32, #tpu.memory_space<vmem>>, vector<1x128xf32>
    %add3A = vector.broadcast %get3A_13 : vector<1x128xf32> to vector<512x128xf32>
    %add3A_14 = arith.addf %dot_general3A_10, %add3A : vector<512x128xf32>
    %mul3A = arith.constant 5.000000e-01 : f32
    %mul3A_15 = vector.broadcast %mul3A : f32 to vector<512x128xf32>
    %mul3A_16 = arith.mulf %mul3A_15, %add3A_14 : vector<512x128xf32>
    %slice3A = vector.extract_strided_slice %dot_general3A_5 {offsets = [0, 0], sizes = [512, 64], strides = [1, 1]} : vector<512x128xf32> to vector<512x64xf32>
    %swap3A = arith.constant 0 : index
    %swap3A_17 = arith.constant 0 : index
    %swap3A_18 = arith.constant 0 : index
    %swap3A_19 = vector.load %arg5[%swap3A, %swap3A_17, %swap3A_18] : memref<2x512x64xf32, #tpu.memory_space<vmem>>, vector<1x512x64xf32>
    %swap3A_20 = vector.shape_cast %swap3A_19 : vector<1x512x64xf32> to vector<512x64xf32>
    %swap3A_21 = vector.shape_cast %slice3A : vector<512x64xf32> to vector<1x512x64xf32>
    tpu.vector_store %arg5[%swap3A, %swap3A_17, %swap3A_18], %swap3A_21 {strides = array<i32>} : memref<2x512x64xf32, #tpu.memory_space<vmem>>, vector<1x512x64xf32>,
    %slice3A_22 = vector.extract_strided_slice %dot_general3A_5 {offsets = [0, 64], sizes = [512, 64], strides = [1, 1]} : vector<512x128xf32> to vector<512x64xf32>
    %swap3A_23 = arith.constant 1 : index
    %swap3A_24 = arith.constant 0 : index
    %swap3A_25 = arith.constant 0 : index
    %swap3A_26 = vector.load %arg5[%swap3A_23, %swap3A_24, %swap3A_25] : memref<2x512x64xf32, #tpu.memory_space<vmem>>, vector<1x512x64xf32>
    %swap3A_27 = vector.shape_cast %swap3A_26 : vector<1x512x64xf32> to vector<512x64xf32>
    %swap3A_28 = vector.shape_cast %slice3A_22 : vector<512x64xf32> to vector<1x512x64xf32>
    tpu.vector_store %arg5[%swap3A_23, %swap3A_24, %swap3A_25], %swap3A_28 {strides = array<i32>} : memref<2x512x64xf32, #tpu.memory_space<vmem>>, vector<1x512x64xf32>,
    %slice3A_29 = vector.extract_strided_slice %mul3A_16 {offsets = [0, 0], sizes = [512, 64], strides = [1, 1]} : vector<512x128xf32> to vector<512x64xf32>
    %swap3A_30 = arith.constant 0 : index
    %swap3A_31 = arith.constant 0 : index
    %swap3A_32 = arith.constant 0 : index
    %swap3A_33 = vector.load %arg6[%swap3A_30, %swap3A_31, %swap3A_32] : memref<2x512x64xf32, #tpu.memory_space<vmem>>, vector<1x512x64xf32>
    %swap3A_34 = vector.shape_cast %swap3A_33 : vector<1x512x64xf32> to vector<512x64xf32>
    %swap3A_35 = vector.shape_cast %slice3A_29 : vector<512x64xf32> to vector<1x512x64xf32>
    tpu.vector_store %arg6[%swap3A_30, %swap3A_31, %swap3A_32], %swap3A_35 {strides = array<i32>} : memref<2x512x64xf32, #tpu.memory_space<vmem>>, vector<1x512x64xf32>,
    %slice3A_36 = vector.extract_strided_slice %mul3A_16 {offsets = [0, 64], sizes = [512, 64], strides = [1, 1]} : vector<512x128xf32> to vector<512x64xf32>
    %swap3A_37 = arith.constant 1 : index
    %swap3A_38 = arith.constant 0 : index
    %swap3A_39 = arith.constant 0 : index
    %swap3A_40 = vector.load %arg6[%swap3A_37, %swap3A_38, %swap3A_39] : memref<2x512x64xf32, #tpu.memory_space<vmem>>, vector<1x512x64xf32>
    %swap3A_41 = vector.shape_cast %swap3A_40 : vector<1x512x64xf32> to vector<512x64xf32>
    %swap3A_42 = vector.shape_cast %slice3A_36 : vector<512x64xf32> to vector<1x512x64xf32>
    tpu.vector_store %arg6[%swap3A_37, %swap3A_38, %swap3A_39], %swap3A_42 {strides = array<i32>} : memref<2x512x64xf32, #tpu.memory_space<vmem>>, vector<1x512x64xf32>,
    return
  }
  func.func @transform_0(%arg0: i32) -> (i32, i32) {
    %c0_i32 = arith.constant 0 : i32
    %c0_i32_0 = arith.constant 0 : i32
    return %arg0, %c0_i32 : i32, i32
  }
  func.func @transform_1(%arg0: i32) -> (i32, i32) {
    %c0_i32 = arith.constant 0 : i32
    %c0_i32_0 = arith.constant 0 : i32
    %c0_i32_1 = arith.constant 0 : i32
    return %c0_i32, %c0_i32_0 : i32, i32
  }
  func.func @transform_2(%arg0: i32) -> (i32, i32) {
    %c0_i32 = arith.constant 0 : i32
    %c0_i32_0 = arith.constant 0 : i32
    %c0_i32_1 = arith.constant 0 : i32
    return %c0_i32, %c0_i32_0 : i32, i32
  }
  func.func @transform_3(%arg0: i32) -> (i32, i32) {
    %c0_i32 = arith.constant 0 : i32
    %c0_i32_0 = arith.constant 0 : i32
    %c0_i32_1 = arith.constant 0 : i32
    return %c0_i32, %c0_i32_0 : i32, i32
  }
  func.func @transform_4(%arg0: i32) -> (i32, i32, i32) {
    %c0_i32 = arith.constant 0 : i32
    %c0_i32_0 = arith.constant 0 : i32
    %c0_i32_1 = arith.constant 0 : i32
    return %c0_i32, %arg0, %c0_i32_0 : i32, i32, i32
  }
  func.func @transform_5(%arg0: i32) -> (i32, i32, i32) {
    %c0_i32 = arith.constant 0 : i32
    %c0_i32_0 = arith.constant 0 : i32
    %c0_i32_1 = arith.constant 0 : i32
    return %c0_i32, %arg0, %c0_i32_0 : i32, i32, i32
  }
}

module attributes {stable_mosaic.version = 14 : i64} {
  func.func @_tc2_body(%arg0: i32, %arg1: memref<2x512x64xf32, #tpu.memory_space<vmem>>, %arg2: memref<2x512x64xf32, #tpu.memory_space<vmem>>, %arg3: memref<128x64xf32, #tpu.memory_space<vmem>>, %arg4: memref<128x64xf32, #tpu.memory_space<vmem>>, %arg5: memref<1x64xf32, #tpu.memory_space<vmem>>, %arg6: memref<512x64xf32, #tpu.memory_space<vmem>>, %arg7: memref<512x64xf32, #tpu.memory_space<vmem>>) attributes {dimension_semantics = [#tpu.dimension_semantics<arbitrary>], iteration_bounds = array<i64: 20>, scalar_prefetch = 0 : i64, scratch_operands = 0 : i64, tpu.core_type = #tpu.core_type<tc>, window_params = [{transform_indices = @transform_0, window_bounds = array<i64: 2, 512, 64>}, {transform_indices = @transform_1, window_bounds = array<i64: 2, 512, 64>}, {pipeline_mode = #tpu.pipeline_mode<synchronous>, transform_indices = @transform_2, window_bounds = array<i64: 128, 64>}, {pipeline_mode = #tpu.pipeline_mode<synchronous>, transform_indices = @transform_3, window_bounds = array<i64: 128, 64>}, {pipeline_mode = #tpu.pipeline_mode<synchronous>, transform_indices = @transform_4, window_bounds = array<i64: 1, 64>}, {transform_indices = @transform_5, window_bounds = array<i64: 512, 64>}, {transform_indices = @transform_6, window_bounds = array<i64: 512, 64>}]} {
    %get3A = arith.constant 0 : index
    %get3A_0 = arith.constant 0 : index
    %get3A_1 = arith.constant 0 : index
    %get3A_2 = vector.load %arg1[%get3A, %get3A_0, %get3A_1] : memref<2x512x64xf32, #tpu.memory_space<vmem>>, vector<1x512x64xf32>
    %get3A_3 = vector.shape_cast %get3A_2 : vector<1x512x64xf32> to vector<512x64xf32>
    %get3A_4 = arith.constant 1 : index
    %get3A_5 = arith.constant 0 : index
    %get3A_6 = arith.constant 0 : index
    %get3A_7 = vector.load %arg1[%get3A_4, %get3A_5, %get3A_6] : memref<2x512x64xf32, #tpu.memory_space<vmem>>, vector<1x512x64xf32>
    %get3A_8 = vector.shape_cast %get3A_7 : vector<1x512x64xf32> to vector<512x64xf32>
    %add3A = arith.addf %get3A_3, %get3A_8 : vector<512x64xf32>
    %get3A_9 = arith.constant 0 : index
    %get3A_10 = arith.constant 0 : index
    %get3A_11 = arith.constant 0 : index
    %get3A_12 = vector.load %arg2[%get3A_9, %get3A_10, %get3A_11] : memref<2x512x64xf32, #tpu.memory_space<vmem>>, vector<1x512x64xf32>
    %get3A_13 = vector.shape_cast %get3A_12 : vector<1x512x64xf32> to vector<512x64xf32>
    %get3A_14 = arith.constant 1 : index
    %get3A_15 = arith.constant 0 : index
    %get3A_16 = arith.constant 0 : index
    %get3A_17 = vector.load %arg2[%get3A_14, %get3A_15, %get3A_16] : memref<2x512x64xf32, #tpu.memory_space<vmem>>, vector<1x512x64xf32>
    %get3A_18 = vector.shape_cast %get3A_17 : vector<1x512x64xf32> to vector<512x64xf32>
    %add3A_19 = arith.addf %get3A_13, %get3A_18 : vector<512x64xf32>
    %concatenate3A = tpu.concatenate %add3A, %add3A_19 in 1 : vector<512x64xf32>, vector<512x64xf32> -> vector<512x128xf32>
    %max3A = arith.constant 0.000000e+00 : f32
    %max3A_20 = vector.broadcast %max3A : f32 to vector<512x128xf32>
    %max3A_21 = arith.maximumf %concatenate3A, %max3A_20 : vector<512x128xf32>
    %get3A_22 = arith.constant 0 : index
    %get3A_23 = arith.constant 0 : index
    %get3A_24 = vector.load %arg3[%get3A_22, %get3A_23] : memref<128x64xf32, #tpu.memory_space<vmem>>, vector<128x64xf32>
    %dot_general3A = arith.constant dense<0.000000e+00> : vector<512x64xf32>
    %dot_general3A_25 = tpu.matmul %max3A_21, %get3A_24, %dot_general3A {dimension_numbers = #tpu.dot_dimension_numbers<[1], [0], [0], [1], [0, 0, 1, 1], [], []>, transpose_lhs_hint = false} : vector<512x128xf32>, vector<128x64xf32>, vector<512x64xf32> -> vector<512x64xf32>
    %swap3A = arith.constant 0 : index
    %swap3A_26 = arith.constant 0 : index
    %swap3A_27 = vector.load %arg6[%swap3A, %swap3A_26] : memref<512x64xf32, #tpu.memory_space<vmem>>, vector<512x64xf32>
    tpu.vector_store %arg6[%swap3A, %swap3A_26], %dot_general3A_25 {strides = array<i32>} : memref<512x64xf32, #tpu.memory_space<vmem>>, vector<512x64xf32>,
    %get3A_28 = arith.constant 0 : index
    %get3A_29 = arith.constant 0 : index
    %get3A_30 = vector.load %arg4[%get3A_28, %get3A_29] : memref<128x64xf32, #tpu.memory_space<vmem>>, vector<128x64xf32>
    %dot_general3A_31 = arith.constant dense<0.000000e+00> : vector<512x64xf32>
    %dot_general3A_32 = tpu.matmul %max3A_21, %get3A_30, %dot_general3A_31 {dimension_numbers = #tpu.dot_dimension_numbers<[1], [0], [0], [1], [0, 0, 1, 1], [], []>, transpose_lhs_hint = false} : vector<512x128xf32>, vector<128x64xf32>, vector<512x64xf32> -> vector<512x64xf32>
    %get3A_33 = arith.constant 0 : index
    %get3A_34 = arith.constant 0 : index
    %get3A_35 = vector.load %arg5[%get3A_33, %get3A_34] : memref<1x64xf32, #tpu.memory_space<vmem>>, vector<1x64xf32>
    %add3A_36 = vector.broadcast %get3A_35 : vector<1x64xf32> to vector<512x64xf32>
    %add3A_37 = arith.addf %dot_general3A_32, %add3A_36 : vector<512x64xf32>
    %mul3A = arith.constant 5.000000e-01 : f32
    %mul3A_38 = vector.broadcast %mul3A : f32 to vector<512x64xf32>
    %mul3A_39 = arith.mulf %mul3A_38, %add3A_37 : vector<512x64xf32>
    %swap3A_40 = arith.constant 0 : index
    %swap3A_41 = arith.constant 0 : index
    %swap3A_42 = vector.load %arg7[%swap3A_40, %swap3A_41] : memref<512x64xf32, #tpu.memory_space<vmem>>, vector<512x64xf32>
    tpu.vector_store %arg7[%swap3A_40, %swap3A_41], %mul3A_39 {strides = array<i32>} : memref<512x64xf32, #tpu.memory_space<vmem>>, vector<512x64xf32>,
    return
  }
  func.func @transform_0(%arg0: i32) -> (i32, i32, i32) {
    %c0_i32 = arith.constant 0 : i32
    %c0_i32_0 = arith.constant 0 : i32
    %c0_i32_1 = arith.constant 0 : i32
    return %c0_i32, %arg0, %c0_i32_0 : i32, i32, i32
  }
  func.func @transform_1(%arg0: i32) -> (i32, i32, i32) {
    %c0_i32 = arith.constant 0 : i32
    %c0_i32_0 = arith.constant 0 : i32
    %c0_i32_1 = arith.constant 0 : i32
    return %c0_i32, %arg0, %c0_i32_0 : i32, i32, i32
  }
  func.func @transform_2(%arg0: i32) -> (i32, i32) {
    %c0_i32 = arith.constant 0 : i32
    %c0_i32_0 = arith.constant 0 : i32
    %c0_i32_1 = arith.constant 0 : i32
    return %c0_i32, %c0_i32_0 : i32, i32
  }
  func.func @transform_3(%arg0: i32) -> (i32, i32) {
    %c0_i32 = arith.constant 0 : i32
    %c0_i32_0 = arith.constant 0 : i32
    %c0_i32_1 = arith.constant 0 : i32
    return %c0_i32, %c0_i32_0 : i32, i32
  }
  func.func @transform_4(%arg0: i32) -> (i32, i32) {
    %c0_i32 = arith.constant 0 : i32
    %c0_i32_0 = arith.constant 0 : i32
    %c0_i32_1 = arith.constant 0 : i32
    return %c0_i32, %c0_i32_0 : i32, i32
  }
  func.func @transform_5(%arg0: i32) -> (i32, i32) {
    %c0_i32 = arith.constant 0 : i32
    %c0_i32_0 = arith.constant 0 : i32
    return %arg0, %c0_i32 : i32, i32
  }
  func.func @transform_6(%arg0: i32) -> (i32, i32) {
    %c0_i32 = arith.constant 0 : i32
    %c0_i32_0 = arith.constant 0 : i32
    return %arg0, %c0_i32 : i32, i32
  }
}

module attributes {stable_mosaic.version = 14 : i64} {
  func.func @_tc3_body(%arg0: i32, %arg1: memref<2x2000x64xf32, #tpu.memory_space<vmem>>, %arg2: memref<2000x64xf32, #tpu.memory_space<vmem>>) attributes {dimension_semantics = [#tpu.dimension_semantics<arbitrary>], iteration_bounds = array<i64: 5>, scalar_prefetch = 0 : i64, scratch_operands = 0 : i64, tpu.core_type = #tpu.core_type<tc>, window_params = [{transform_indices = @transform_0, window_bounds = array<i64: 2, 2000, 64>}, {transform_indices = @transform_1, window_bounds = array<i64: 2000, 64>}]} {
    %get3A = arith.constant 0 : index
    %get3A_0 = arith.constant 0 : index
    %get3A_1 = arith.constant 0 : index
    %get3A_2 = vector.load %arg1[%get3A, %get3A_0, %get3A_1] : memref<2x2000x64xf32, #tpu.memory_space<vmem>>, vector<1x2000x64xf32>
    %get3A_3 = vector.shape_cast %get3A_2 : vector<1x2000x64xf32> to vector<2000x64xf32>
    %get3A_4 = arith.constant 1 : index
    %get3A_5 = arith.constant 0 : index
    %get3A_6 = arith.constant 0 : index
    %get3A_7 = vector.load %arg1[%get3A_4, %get3A_5, %get3A_6] : memref<2x2000x64xf32, #tpu.memory_space<vmem>>, vector<1x2000x64xf32>
    %get3A_8 = vector.shape_cast %get3A_7 : vector<1x2000x64xf32> to vector<2000x64xf32>
    %add3A = arith.addf %get3A_3, %get3A_8 : vector<2000x64xf32>
    %swap3A = arith.constant 0 : index
    %swap3A_9 = arith.constant 0 : index
    %swap3A_10 = vector.load %arg2[%swap3A, %swap3A_9] : memref<2000x64xf32, #tpu.memory_space<vmem>>, vector<2000x64xf32>
    tpu.vector_store %arg2[%swap3A, %swap3A_9], %add3A {strides = array<i32>} : memref<2000x64xf32, #tpu.memory_space<vmem>>, vector<2000x64xf32>,
    return
  }
  func.func @transform_0(%arg0: i32) -> (i32, i32, i32) {
    %c0_i32 = arith.constant 0 : i32
    %c0_i32_0 = arith.constant 0 : i32
    %c0_i32_1 = arith.constant 0 : i32
    return %c0_i32, %arg0, %c0_i32_0 : i32, i32, i32
  }
  func.func @transform_1(%arg0: i32) -> (i32, i32) {
    %c0_i32 = arith.constant 0 : i32
    %c0_i32_0 = arith.constant 0 : i32
    return %arg0, %c0_i32 : i32, i32
  }
}

</mosaic_0001>

<sc_bundles>
// kernel: kernel.11.cloned.1.call-start
scs
__scs_entry_jumppad:
0x0: {  	(pc) =	sbr.rel $0x88, $3  }
0x1: {  	(tag) =	ssettag $0x0;
	lr =	simm.s32 $0x1  }
0x2: {  	[smem:$0x3F99] =	sst lr;
	_ =	strace $0xD0000000  }
0x3: {  	_ = 	snop  }
0x4: {  	_ = 	snop  }
0x5: {  	_ = 	snop  }
0x6: {  	_ = 	snop  }
0x7: {  	_ = 	snop  }
__scs_overlays_trampoline_lowered:
0x8: {  	[smem:$0x3FA8] =	sst s0  }
0x9: {  	[smem:$0x3FA9] =	sst s1  }
0xa: {  	[smem:$0x3FAA] =	sst s2  }
0xb: {  	[smem:$0x3FAB] =	sst s3  }
0xc: {  	[smem:$0x3FAC] =	sst s4  }
0xd: {  	[smem:$0x3FAD] =	sst s5  }
0xe: {  	[smem:$0x3FAE] =	sst s6  }
0xf: {  	[smem:$0x3FAF] =	sst s7  }
0x10: {  	[smem:$0x3FB0] =	sst s8  }
0x11: {  	[smem:$0x3FB1] =	sst s9;
	s0 =	simm.s32 @!p0 $0x0  }
0x12: {  	s1 =	sld [smem:$0x3F97];
	s0 =	simm.s32 @p0 $0x1  }
0x13: {  	[smem:$0x3FB2] =	sst s0;
	s0 =	simm.s32 @!p1 $0x0  }
0x14: {  	s2 =	sld [smem:$0x3F96];
	s0 =	simm.s32 @p1 $0x1  }
0x15: {  	[smem:$0x3FB3] =	sst s0;
	s0 =	simm.s32 @!p2 $0x0  }
0x16: {  	s3 =	sld [smem:$0x3FDB];
	s0 =	simm.s32 @p2 $0x1  }
0x17: {  	s4 =	simm.s32 $0x1BF5;
	[smem:$0x3FB5] =	sst s0  }
0x18: {  	s0 =	sld [smem:$0x3F98];
	_ =	swait.ge [sflag:s4], $0x0  }
0x19: {  	s7 =	sld [smem:$0x3F99]  }
0x1a: {  	s8 =	sadd.s32 $0xFFFFE003, lr  }
0x1b: {  	s9 =	sadd.s32 $0xFFFFFEF7, lr;
	s5 =	simm.s32 $0xFFFFFFFF;
	p2 =	slt.u32 s8, $0xFFFFF086  }
0x1c: {  	p1 =	slt.u32 s9, $0xF7A;
	s5 =	simm.s32 @!p2 $0x0  }
0x1d: {  	s5 =	simm.s32 @p1 $0x1;
	p0 =	seq.s32 s7, s2  }
0x1e: {  	s7 =	smul.u32 @!p0 $0xF7A, s2;
	p2 =	seq.s32 @!p0 s5, $0x0  }
0x1f: {  	s9 =	smul.u32 $0xF7A, s1;
	s8 =	simm.s32 @!p0 $0x1BF5;
	p2 =	por !p2, p0  }
0x20: {  	[sflag:s8] =	ssyncset.s32 @!p0 $0xFFFFF086;
	s6 =	sadd.s32 @!p0 s3, s7;
	s7 =	simm.s32 @!p0 $0x108  }
0x21: {  	s3 =	sadd.s32 s3, s9;
	s6 =	sadd.s32 @!p0 $0x88, s6;
	s7 =	simm.s32 @p2 $0x1082  }
0x22: {  	[simem:s7], [sflag:s8] =	dma.local @!p0 [hbm:s6], $0xF7A  }
0x23: {  	s9 =	sor.u32 $0xD0000000, s2;
	s6 =	simm.s32 $0x108;
	_ =	swait.ge @!p0 [sflag:s8], $0x0  }
0x24: {  	s3 =	sadd.s32 $0x88, s3;
	s6 =	simm.s32 @!p1 $0x1082;
	[sflag:s4] =	ssyncset.s32 $0xFFFFF086  }
0x25: {  	[simem:s6], [sflag:s4] =	dma.local [hbm:s3], $0xF7A  }
0x26: {  	[smem:$0x3F99] =	sst s1;
	(tag) =	ssettag s2;
	_ =	strace s9  }
0x27: {  	s1 =	sld [smem:$0x3FA9]  }
0x28: {  	s2 =	sld [smem:$0x3FAA]  }
0x29: {  	s4 =	sld [smem:$0x3FAC]  }
0x2a: {  	p0 =	seq.s32 s5, $0x0;
	s5 =	sld [smem:$0x3FAD]  }
0x2b: {  	s6 =	sld [smem:$0x3FAE]  }
0x2c: {  	s7 =	sld [smem:$0x3FAF]  }
0x2d: {  	s3 =	simm.s32 $0x108;
	s8 =	sld [smem:$0x3FB0]  }
0x2e: {  	s3 =	simm.s32 @!p0 $0x1082;
	s9 =	sld [smem:$0x3FB1]  }
0x2f: {  	lr =	sadd.s32 s0, s3;
	s0 =	sld [smem:$0x3FA8]  }
0x30: {  	s3 =	sld [smem:$0x3FAB]  }
0x31: {  	[smem:$0x3FB4] =	sst s10  }
0x32: {  	s10 =	sld [smem:$0x3FB2];
	_ =	sdelay $0x3  }
0x33: {  	p0 =	seq.s32 s10, $0x1;
	s10 =	sld [smem:$0x3FB4];
	_ =	sdelay $0x3  }
0x34: {  	[smem:$0x3FB4] =	sst s10  }
0x35: {  	s10 =	sld [smem:$0x3FB3];
	_ =	sdelay $0x3  }
0x36: {  	p1 =	seq.s32 s10, $0x1;
	s10 =	sld [smem:$0x3FB4];
	_ =	sdelay $0x3  }
0x37: {  	[smem:$0x3FB4] =	sst s10  }
0x38: {  	s10 =	sld [smem:$0x3FB5]  }
0x39: {  	_ = 	snop;
	(pc) =	sbr.ind lr, $3  }
0x3a: {  	_ = 	snop  }
0x3b: {  	_ = 	snop  }
0x3c: {  	p2 =	seq.s32 s10, $0x1;
	s10 =	sld [smem:$0x3FB4]  }
0x3d: {  	_ =	shalt  }
0x3e: {  	_ =	shalt  }
0x3f: {  	_ =	shalt  }
0x40: {  	_ =	shalt  }
0x41: {  	_ =	shalt  }
0x42: {  	_ =	shalt  }
0x43: {  	_ =	shalt  }
0x44: {  	_ =	shalt  }
0x45: {  	_ =	shalt  }
0x46: {  	_ =	shalt  }
0x47: {  	_ =	shalt  }
0x48: {  	_ =	shalt  }
0x49: {  	_ =	shalt  }
0x4a: {  	_ =	shalt  }
0x4b: {  	_ =	shalt  }
0x4c: {  	_ =	shalt  }
0x4d: {  	_ =	shalt  }
0x4e: {  	_ =	shalt  }
0x4f: {  	_ =	shalt  }
0x50: {  	_ =	shalt  }
0x51: {  	_ =	shalt  }
0x52: {  	_ =	shalt  }
0x53: {  	_ =	shalt  }
0x54: {  	_ =	shalt  }
0x55: {  	_ =	shalt  }
0x56: {  	_ =	shalt  }
0x57: {  	_ =	shalt  }
0x58: {  	_ =	shalt  }
0x59: {  	_ =	shalt  }
0x5a: {  	_ =	shalt  }
0x5b: {  	_ =	shalt  }
0x5c: {  	_ =	shalt  }
0x5d: {  	_ =	shalt  }
0x5e: {  	_ =	shalt  }
0x5f: {  	_ =	shalt  }
0x60: {  	_ =	shalt  }
0x61: {  	_ =	shalt  }
0x62: {  	_ =	shalt  }
0x63: {  	_ =	shalt  }
0x64: {  	_ =	shalt  }
0x65: {  	_ =	shalt  }
0x66: {  	_ =	shalt  }
0x67: {  	_ =	shalt  }
0x68: {  	_ =	shalt  }
0x69: {  	_ =	shalt  }
0x6a: {  	_ =	shalt  }
0x6b: {  	_ =	shalt  }
0x6c: {  	_ =	shalt  }
0x6d: {  	_ =	shalt  }
0x6e: {  	_ =	shalt  }
0x6f: {  	_ =	shalt  }
0x70: {  	_ =	shalt  }
0x71: {  	_ =	shalt  }
0x72: {  	_ =	shalt  }
0x73: {  	_ =	shalt  }
0x74: {  	_ =	shalt  }
0x75: {  	_ =	shalt  }
0x76: {  	_ =	shalt  }
0x77: {  	_ =	shalt  }
0x78: {  	_ =	shalt  }
0x79: {  	_ =	shalt  }
0x7a: {  	_ =	shalt  }
0x7b: {  	_ =	shalt  }
0x7c: {  	_ =	shalt  }
0x7d: {  	_ =	shalt  }
0x7e: {  	_ =	shalt  }
0x7f: {  	_ =	shalt  }
0x80: {  	_ =	shalt  }
0x81: {  	_ =	shalt  }
0x82: {  	_ =	shalt  }
0x83: {  	_ =	shalt  }
0x84: {  	_ =	shalt  }
0x85: {  	_ =	shalt  }
0x86: {  	_ =	shalt  }
0x87: {  	_ =	shalt  }
.Lfunc_end0:
.L_simem_size_0:
called_computation.1_lowered:
.L_overlay_start_0:
0x88: {  	s2 =	sld [smem:$0x3FD9]  }
0x89: {  	s3 =	sld [smem:$0x3FFE];
	_ =	sdelay $0x1  }
0x8a: {  	s1 =	srdreg.scid  }
0x8b: {  	s0 =	sand.u32 $0x1, s1  }
0x8c: {  	s17 =	sshll.u32 s0, $0xA;
	s2 =	sadd.s32 s3, s2  }
0x8d: {  	s2 =	sadd.s32 s2, s17  }
0x8e: {  	[smem:$0x3FC0] =	sst s2  }
0x8f: {  	_ = 	snop  }
0x90: {  	s2 =	sld [smem:$0x3FD0];
	(tm) =	ssettm $0x1  }
0x91: {  	s18 =	sld [smem:$0x3FFB];
	_ =	sdelay $0x3  }
0x92: {  	_ =	strace s18  }
0x93: {  	s3 =	sld [smem:$0x3FFC];
	_ =	sdelay $0x3  }
0x94: {  	_ =	strace s3  }
0x95: {  	s3 =	sld [smem:$0x3FFD];
	_ =	sdelay $0x3  }
0x96: {  	_ =	strace s3  }
0x97: {  	_ =	strace $0x8FFFFFFF  }
0x98: {  	s19 =	sld [smem:$0x3FDB];
	_ =	sdelay $0x1  }
0x99: {  	s4 =	simm.s32 $_scs_section_size  }
0x9a: {  	s5 =	simm.s32 $_size__tile_overlayer_lowered;
	s6 =	simm.s32 $_tile_overlayer_lowered  }
0x9b: {  	s22 =	simm.s32 $0x1BFF;
	s21 =	sshll.u32 s6, $0x1;
	s3 =	sadd.s32 s4, s19  }
0x9c: {  	s7 =	simm.s32 $0x0;
	s20 =	sshll.u32 s5, $0x1;
	s5 =	sadd.s32 s21, s3  }
0x9d: {  	[timem:s7], [sflag:s22] =	dma.local [hbm:s5], s20  }
0x9e: {  	_ =	swait.ge [sflag:s22], s20  }
0x9f: {  	s4 =	ssub.s32 $0x0, s20;
	[sflag:s22] =	ssyncset.done $0x0  }
0xa0: {  	[sflag:s22] =	ssyncadd.s32 s4;
	_ =	sdelay $0x1  }
0xa1: {  	s23 =	simm.s32 $0x1B8B  }
0xa2: {  	_ =	swait.ge [sflag:s23], $0x1  }
0xa3: {  	[sflag:s23] =	ssyncset.done $0x0  }
0xa4: {  	s25 =	simm.s32 $0x1B8E;
	s24 =	sld [smem:$0x3FFE];
	[sflag:s23] =	ssyncadd.s32 $0xFFFFFFFF  }
0xa5: {  	s26 =	simm.s32 $execute0_lowered;
	[smem:$0x3FD2] =	sst s25  }
0xa6: {  	s5 =	sshll.u32 s26, $0x1;
	_ =	strace $0x80000046;
	[dreg:$0x1] =	wrdreg $0xFFFFFFFF  }
0xa7: {  	s28 =	simm.s32 $_size_execute0_lowered;
	s3 =	sadd.s32 s3, s5;
	[dreg:$0x0] =	wrdreg $0x0  }
0xa8: {  	s5 =	sshll.u32 s28, $0x1;
	[dreg:$0x2] =	wrdreg s3  }
0xa9: {  	[dreg:$0x3] =	wrdreg s5  }
0xaa: {  	[dreg:$0x4] =	wrdreg $0xC0  }
0xab: {  	_ =	task [dreg:s7], $0x5FFFF  }
0xac: {  	[dreg:$0x1] =	wrdreg $0xFFFFFFFF  }
0xad: {  	[dreg:$0x0] =	wrdreg $0x60  }
0xae: {  	[dreg:$0x2] =	wrdreg s24  }
0xaf: {  	[dreg:$0x3] =	wrdreg s2  }
0xb0: {  	[dreg:$0x4] =	wrdreg $0x90000  }
0xb1: {  	[dreg:$0x5] =	wrdreg $0x130000  }
0xb2: {  	[dreg:$0x6] =	wrdreg $0xA  }
0xb3: {  	_ =	task.clear_ibuf [dreg:s7], $0x7FFFF;
	_ =	strace $0x90000046  }
0xb4: {  	s29 =	simm.s32 $0xA;
	_ =	strace $0x80000048  }
0xb5: {  	_ =	swait.ge [sflag:s29], $0x1  }
0xb6: {  	[sflag:s29] =	ssyncadd.s32 $0xFFFFFFFF  }
0xb7: {  	_ =	strace $0x90000048  }
0xb8: {  	_ =	sfence  }
0xb9: {  	s30 =	sld [smem:$0x0];
	_ =	sdelay $0x2  }
0xba: {  	s31 =	sshll.u32 s1, $0xD;
	s1 =	sshrl.u32 s1, $0x2  }
0xbb: {  	s3 =	sand.u32 $0x4000, s31;
	s1 =	sadd.s32 s1, s30  }
0xbc: {  	s0 =	sor.u32 s3, s0;
	s1 =	sshll.u32 s1, $0x11  }
0xbd: {  	s0 =	sor.u32 s1, s0  }
0xbe: {  	s0 =	sadd.s32 $0x8F2B, s0  }
0xbf: {  	[sflag:s0] =	ssyncadd.remote.s32 $0x1  }
0xc0: {  	_ =	sfence.sel $0xFFFF  }
0xc1: {  	[dreg:$0x0] =	wrdreg $0xFFFFFFFF;
	(pc) =	sbr.abs _section_cstart, $3  }
0xc2: {  	[dreg:$0x1] =	wrdreg $0xFFFFFFFF  }
0xc3: {  	_ =	task.clear_ibuf [dreg:s7], $0x2FFFF;
	_ =	strace $0x9FFFFFFF  }
0xc4: {  	(tm) =	ssettm $0x7FFFFFFF  }
0xc5: {  	_ =	shalt  }
tec
execute0_lowered:
.L_overlay_start_1:
0x0: {  	(tag) =	ssettag $0x1  }
0x1: {  	s7 =	rddreg [dreg:$0x0]  }
0x2: {  	s8 =	rddreg [dreg:$0x1]  }
0x3: {  	s1 =	rddreg [dreg:$0x2]  }
0x4: {  	s0 =	srdreg.scid;
	s3 =	rddreg [dreg:$0x3]  }
0x5: {  	s2 =	stileid.u32;
	s4 =	simm.s32 $0x0;
	s18 =	simm.s32 $0x1  }
0x6: {  	s19 =	simm.s32 $0x2;
	s20 =	simm.s32 $0x4F00;
	s21 =	simm.s32 $0x4F80  }
0x7: {  	s5 =	sand.u32 $0x1, s0;
	s0 =	rddreg [dreg:$0x4];
	s9 =	smul.u32 $0xA000, s2  }
0x8: {  	[smem:$0x7FF] =	sst s4;
	s31 =	sshll.u32 s2, $0x6;
	s17 =	sadd.s32 $0x6F800, s7  }
0x9: {  	s6 =	sshll.u32 s5, $0x4;
	s30 =	smul.u32 $0x14000, s5;
	s5 =	ssub.s32 $0x2, s5  }
0xa: {  	_ =	strace $0x80000047;
	s6 =	sor.u32 s2, s6;
	s22 =	sshrl.u32 s9, $0x3  }
0xb: {  	s12 =	sshrl.u32 s5, $0x1;
	s15 =	sadd.s32 s9, s1;
	s16 =	sadd.s32 s9, s3  }
0xc: {  	s10 =	smul.u32 $0x500, s6;
	s11 =	sadd.s32 s22, s7;
	s14 =	sadd.s32 s30, s7  }
0xd: {  	s12 =	ssub.s32 s5, s12;
	s6 =	sor.u32 $0x1C03, s31;
	s5 =	sadd.s32 $0x1F800, s11  }
0xe: {  	s23 =	sadd.s32 $0x33800, s14;
	s9 =	smax.u32 s12, $0x1;
	s11 =	simm.s32 $0x3  }
0xf: {  	s12 =	sadd.s32 s22, s17;
	s14 =	simm.s32 $0x2800;
	s17 =	simm.s32 $0x7000  }
0x10: {  	s13 =	sadd.s32 s10, s7;
	s7 =	sadd.s32 s8, s10;
	s10 =	sshrl.u32 s15, $0x3  }
0x11: {  	s15 =	simm.s32 $0x80;
	s22 =	sadd.s32 s22, s23;
	s23 =	simm.s32 $0x0  }
0x12: {  	s8 =	sadd.s32 $0x1800, s13;
	s13 =	sshrl.u32 s16, $0x3;
	s16 =	simm.s32 $0x5000  }
.LBB2_1:
0x13: {  	[spmem:s10], [sflag:s6] =	dma.local [hbm:s5], $0x1400  }
0x14: {  	_ =	swait.ge [sflag:s11], $0x1400  }
0x15: {  	[sflag:s11] =	ssyncset.done $0x0  }
0x16: {  	[sflag:s11] =	ssyncadd.s32 $0xFFFFEC00  }
0x17: {  	[spmem:s13], [sflag:s6] =	dma.local [hbm:s12], $0x1400  }
0x18: {  	_ =	swait.ge [sflag:s11], $0x1400  }
0x19: {  	[sflag:s11] =	ssyncset.done $0x0  }
0x1a: {  	[sflag:s11] =	ssyncadd.s32 $0xFFFFEC00  }
0x1b: {  	[tilespmem:s4], [sflag:$0x3] =	stream.linear.gather [hbm4b:s7+s4], $0x2800, $0x38;
	[tilespmem:$0x1D000] =	vst v63  }
0x1c: {  	_ =	swait.ge [sflag:s11], $0x2800  }
0x1d: {  	[sflag:s11] =	ssyncset.done $0x0  }
0x1e: {  	[sflag:s11] =	ssyncadd.s32 $0xFFFFD800  }
0x1f: {  	[tilespmem:s14], [sflag:$0x3] =	stream.linear.gather [hbm4b:s8+s4], $0x2800, $0x38;
	[tilespmem:$0x1D000] =	vst v63  }
0x20: {  	_ =	swait.ge [sflag:s11], $0x2800  }
0x21: {  	[sflag:s11] =	ssyncset.done $0x0  }
0x22: {  	[sflag:s11] =	ssyncadd.s32 $0xFFFFD800  }
0x23: {  	[bflag:$0x0] =	sbarrier.arrive $0xFFFF  }
0x24: {  	[tilespmem:s16], [sflag:$0x1] =	stream.indirect.gather [spmem:s3], $0x40, s4, s15, $0xb8;
	[tilespmem:$0x1D000] =	vst v63  }
0x25: {  	_ = 	snop  }
0x26: {  	[tilespmem:s17], [sflag:$0x2] =	stream.indirect.gather [spmem:s3], $0x40, s15, s15, $0xb8;
	[tilespmem:$0x1D000] =	vst v63  }
0x27: {  	_ =	swait.ge [sflag:s18], $0x2000  }
0x28: {  	[sflag:s18] =	ssyncset.done $0x0  }
0x29: {  	s24 =	simm.s32 $0x2800;
	[sflag:s18] =	ssyncadd.s32 $0xFFFFE000  }
0x2a: {  	[spmem:s1] =	stream.indirect.scatter.add.f32 [tilespmem:s16], [sflag:$0x3], $0x40, s24, s15, $0xb8;
	[tilespmem:$0x1D000] =	vst v63  }
0x2b: {  	_ =	swait.ge [sflag:s11], $0x2000  }
0x2c: {  	[sflag:s11] =	ssyncset.done $0x0  }
0x2d: {  	s30 =	simm.s32 $0x100;
	[sflag:s11] =	ssyncadd.s32 $0xFFFFE000  }
0x2e: {  	[tilespmem:s16], [sflag:$0x1] =	stream.indirect.gather [spmem:s3], $0x40, s30, s15, $0xb8;
	[tilespmem:$0x1D000] =	vst v63  }
0x2f: {  	_ =	swait.ge [sflag:s19], $0x2000  }
0x30: {  	[sflag:s19] =	ssyncset.done $0x0  }
0x31: {  	s31 =	simm.s32 $0x2880;
	[sflag:s19] =	ssyncadd.s32 $0xFFFFE000  }
0x32: {  	[spmem:s1] =	stream.indirect.scatter.add.f32 [tilespmem:s17], [sflag:$0x3], $0x40, s31, s15, $0xb8;
	[tilespmem:$0x1D000] =	vst v63  }
0x33: {  	_ =	swait.ge [sflag:s11], $0x2000  }
0x34: {  	[sflag:s11] =	ssyncset.done $0x0  }
0x35: {  	s25 =	simm.s32 $0x180;
	s24 =	simm.s32 $0x400;
	[sflag:s11] =	ssyncadd.s32 $0xFFFFE000  }
.LBB2_2:
0x36: {  	[tilespmem:s17], [sflag:$0x2] =	stream.indirect.gather [spmem:s3], $0x40, s25, s15, $0xb8;
	[tilespmem:$0x1D000] =	vst v63  }
0x37: {  	s25 =	smov.u32 s24  }
0x38: {  	p0 =	sne.s32 s24, $0x9800;
	s24 =	sadd.s32 $0x400, s24;
	_ =	swait.ge [sflag:s18], $0x2000  }
0x39: {  	s25 =	sshra.s32 s25, $0x2;
	[sflag:s18] =	ssyncset.done $0x0  }
0x3a: {  	s26 =	sadd.s32 $0x2800, s25;
	[sflag:s18] =	ssyncadd.s32 $0xFFFFE000  }
0x3b: {  	[spmem:s1] =	stream.indirect.scatter.add.f32 [tilespmem:s16], [sflag:$0x3], $0x40, s26, s15, $0xb8;
	[tilespmem:$0x1D000] =	vst v63  }
0x3c: {  	_ =	swait.ge [sflag:s11], $0x2000  }
0x3d: {  	[sflag:s11] =	ssyncset.done $0x0  }
0x3e: {  	s26 =	sadd.s32 $0x100, s25;
	[sflag:s11] =	ssyncadd.s32 $0xFFFFE000  }
0x3f: {  	[tilespmem:s16], [sflag:$0x1] =	stream.indirect.gather [spmem:s3], $0x40, s26, s15, $0xb8;
	[tilespmem:$0x1D000] =	vst v63  }
0x40: {  	_ =	swait.ge [sflag:s19], $0x2000  }
0x41: {  	[sflag:s19] =	ssyncset.done $0x0  }
.Ltmp0:
0x42: {  	s26 =	sadd.s32 $0x2880, s25;
	[sflag:s19] =	ssyncadd.s32 $0xFFFFE000;
	(pc) =	sbr.rel @p0 .LBB2_2-.Ltmp0, $4  }
0x43: {  	[spmem:s1] =	stream.indirect.scatter.add.f32 [tilespmem:s17], [sflag:$0x3], $0x40, s26, s15, $0xb8;
	[tilespmem:$0x1D000] =	vst v63  }
0x44: {  	_ =	swait.ge [sflag:s11], $0x2000  }
0x45: {  	[sflag:s11] =	ssyncset.done $0x0  }
0x46: {  	s25 =	sadd.s32 $0x180, s25;
	[sflag:s11] =	ssyncadd.s32 $0xFFFFE000  }
0x47: {  	[tilespmem:s17], [sflag:$0x2] =	stream.indirect.gather [spmem:s3], $0x40, s25, s15, $0xb8;
	[tilespmem:$0x1D000] =	vst v63  }
0x48: {  	_ =	swait.ge [sflag:s18], $0x2000  }
0x49: {  	[sflag:s18] =	ssyncset.done $0x0  }
0x4a: {  	[sflag:s18] =	ssyncadd.s32 $0xFFFFE000  }
0x4b: {  	[spmem:s1] =	stream.indirect.scatter.add.f32 [tilespmem:s16], [sflag:$0x3], $0x40, s20, s15, $0xb8;
	[tilespmem:$0x1D000] =	vst v63  }
0x4c: {  	_ =	swait.ge [sflag:s11], $0x2000  }
0x4d: {  	[sflag:s11] =	ssyncset.done $0x0  }
0x4e: {  	[sflag:s11] =	ssyncadd.s32 $0xFFFFE000  }
0x4f: {  	_ =	swait.ge [sflag:s19], $0x2000  }
0x50: {  	[sflag:s19] =	ssyncset.done $0x0  }
0x51: {  	[sflag:s19] =	ssyncadd.s32 $0xFFFFE000  }
0x52: {  	[spmem:s1] =	stream.indirect.scatter.add.f32 [tilespmem:s17], [sflag:$0x3], $0x40, s21, s15, $0xb8;
	[tilespmem:$0x1D000] =	vst v63  }
0x53: {  	_ =	swait.ge [sflag:s11], $0x2000  }
0x54: {  	s23 =	sadd.s32 $0x1, s23;
	[sflag:s11] =	ssyncset.done $0x0  }
0x55: {  	p0 =	sne.s32 s23, s9;
	[sflag:s11] =	ssyncadd.s32 $0xFFFFE000  }
.Ltmp1:
0x56: {  	[bflag:$0x0] =	sbarrier.arrive $0xFFFF;
	(pc) =	sbr.rel @p0 .LBB2_1-.Ltmp1, $4  }
0x57: {  	[hbm:s22], [sflag:s6] =	dma.local [spmem:s10], $0x1400  }
0x58: {  	_ =	swait.ge [sflag:s11], $0x1400  }
0x59: {  	[sflag:s11] =	ssyncset.done $0x0  }
0x5a: {  	[sflag:s11] =	ssyncadd.s32 $0xFFFFEC00  }
0x5b: {  	_ =	sfence.sel $0x180000  }
0x5c: {  	[bflag:$0x0] =	sbarrier.arrive $0xFFFF  }
0x5d: {  	p0 =	sne.s32 s2, $0x0;
	_ =	strace $0x90000047  }
0x5e: {  	s0 =	sadd.s32 @!p0 $0x100000, s0;
	[bflag:$0x2] =	sbarrier.arrive $0xFFFF  }
0x5f: {  	[sflag:s0] =	ssyncadd.tile.s32 @!p0 $0x1;
	_ =	shalt  }
.Lfunc_end2:
_tile_overlayer_lowered:
.L_overlay_start_2:
0x60: {  	(tag) =	ssettag $0x2  }
0x61: {  	s0 =	rddreg [dreg:$0x0];
	s2 =	stileid.u32  }
0x62: {  	s1 =	rddreg [dreg:$0x1];
	p0 =	sne.s32 s2, $0x0  }
0x63: {  	s3 =	rddreg [dreg:$0x2];
	[bflag:$0x3] =	sbarrier.arrive $0xFFFF;
	s2 =	simm.s32 @!p0 $0x1C03  }
0x64: {  	[timem:s3], [sflag:s2] =	dma.local @!p0 [hbm:s0], s1  }
0x65: {  	s0 =	simm.s32 @!p0 $0x3  }
0x66: {  	_ =	swait.ge @!p0 [sflag:s0], s1  }
0x67: {  	s1 =	ssub.s32 @!p0 $0x0, s1;
	[sflag:s0] =	ssyncset.done @!p0 $0x0  }
0x68: {  	[sflag:s0] =	ssyncadd.s32 @!p0 s1  }
0x69: {  	[bflag:$0x3] =	sbarrier.arrive $0xFFFF  }
0x6a: {  	_ =	shalt  }

// kernel: kernel.14.cloned.1.call-start
scs
__scs_entry_jumppad:
0x0: {  	(pc) =	sbr.rel $0x88, $3  }
0x1: {  	(tag) =	ssettag $0x0;
	lr =	simm.s32 $0x1  }
0x2: {  	[smem:$0x3F99] =	sst lr;
	_ =	strace $0xD0000000  }
0x3: {  	_ = 	snop  }
0x4: {  	_ = 	snop  }
0x5: {  	_ = 	snop  }
0x6: {  	_ = 	snop  }
0x7: {  	_ = 	snop  }
__scs_overlays_trampoline_lowered:
0x8: {  	[smem:$0x3FA8] =	sst s0  }
0x9: {  	[smem:$0x3FA9] =	sst s1  }
0xa: {  	[smem:$0x3FAA] =	sst s2  }
0xb: {  	[smem:$0x3FAB] =	sst s3  }
0xc: {  	[smem:$0x3FAC] =	sst s4  }
0xd: {  	[smem:$0x3FAD] =	sst s5  }
0xe: {  	[smem:$0x3FAE] =	sst s6  }
0xf: {  	[smem:$0x3FAF] =	sst s7  }
0x10: {  	[smem:$0x3FB0] =	sst s8  }
0x11: {  	[smem:$0x3FB1] =	sst s9;
	s0 =	simm.s32 @!p0 $0x0  }
0x12: {  	s1 =	sld [smem:$0x3F97];
	s0 =	simm.s32 @p0 $0x1  }
0x13: {  	[smem:$0x3FB2] =	sst s0;
	s0 =	simm.s32 @!p1 $0x0  }
0x14: {  	s2 =	sld [smem:$0x3F96];
	s0 =	simm.s32 @p1 $0x1  }
0x15: {  	[smem:$0x3FB3] =	sst s0;
	s0 =	simm.s32 @!p2 $0x0  }
0x16: {  	s3 =	sld [smem:$0x3FDB];
	s0 =	simm.s32 @p2 $0x1  }
0x17: {  	s4 =	simm.s32 $0x1BF5;
	[smem:$0x3FB5] =	sst s0  }
0x18: {  	s0 =	sld [smem:$0x3F98];
	_ =	swait.ge [sflag:s4], $0x0  }
0x19: {  	s7 =	sld [smem:$0x3F99]  }
0x1a: {  	s8 =	sadd.s32 $0xFFFFE003, lr  }
0x1b: {  	s9 =	sadd.s32 $0xFFFFFEF7, lr;
	s5 =	simm.s32 $0xFFFFFFFF;
	p2 =	slt.u32 s8, $0xFFFFF086  }
0x1c: {  	p1 =	slt.u32 s9, $0xF7A;
	s5 =	simm.s32 @!p2 $0x0  }
0x1d: {  	s5 =	simm.s32 @p1 $0x1;
	p0 =	seq.s32 s7, s2  }
0x1e: {  	s7 =	smul.u32 @!p0 $0xF7A, s2;
	p2 =	seq.s32 @!p0 s5, $0x0  }
0x1f: {  	s9 =	smul.u32 $0xF7A, s1;
	s8 =	simm.s32 @!p0 $0x1BF5;
	p2 =	por !p2, p0  }
0x20: {  	[sflag:s8] =	ssyncset.s32 @!p0 $0xFFFFF086;
	s6 =	sadd.s32 @!p0 s3, s7;
	s7 =	simm.s32 @!p0 $0x108  }
0x21: {  	s3 =	sadd.s32 s3, s9;
	s6 =	sadd.s32 @!p0 $0x88, s6;
	s7 =	simm.s32 @p2 $0x1082  }
0x22: {  	[simem:s7], [sflag:s8] =	dma.local @!p0 [hbm:s6], $0xF7A  }
0x23: {  	s9 =	sor.u32 $0xD0000000, s2;
	s6 =	simm.s32 $0x108;
	_ =	swait.ge @!p0 [sflag:s8], $0x0  }
0x24: {  	s3 =	sadd.s32 $0x88, s3;
	s6 =	simm.s32 @!p1 $0x1082;
	[sflag:s4] =	ssyncset.s32 $0xFFFFF086  }
0x25: {  	[simem:s6], [sflag:s4] =	dma.local [hbm:s3], $0xF7A  }
0x26: {  	[smem:$0x3F99] =	sst s1;
	(tag) =	ssettag s2;
	_ =	strace s9  }
0x27: {  	s1 =	sld [smem:$0x3FA9]  }
0x28: {  	s2 =	sld [smem:$0x3FAA]  }
0x29: {  	s4 =	sld [smem:$0x3FAC]  }
0x2a: {  	p0 =	seq.s32 s5, $0x0;
	s5 =	sld [smem:$0x3FAD]  }
0x2b: {  	s6 =	sld [smem:$0x3FAE]  }
0x2c: {  	s7 =	sld [smem:$0x3FAF]  }
0x2d: {  	s3 =	simm.s32 $0x108;
	s8 =	sld [smem:$0x3FB0]  }
0x2e: {  	s3 =	simm.s32 @!p0 $0x1082;
	s9 =	sld [smem:$0x3FB1]  }
0x2f: {  	lr =	sadd.s32 s0, s3;
	s0 =	sld [smem:$0x3FA8]  }
0x30: {  	s3 =	sld [smem:$0x3FAB]  }
0x31: {  	[smem:$0x3FB4] =	sst s10  }
0x32: {  	s10 =	sld [smem:$0x3FB2];
	_ =	sdelay $0x3  }
0x33: {  	p0 =	seq.s32 s10, $0x1;
	s10 =	sld [smem:$0x3FB4];
	_ =	sdelay $0x3  }
0x34: {  	[smem:$0x3FB4] =	sst s10  }
0x35: {  	s10 =	sld [smem:$0x3FB3];
	_ =	sdelay $0x3  }
0x36: {  	p1 =	seq.s32 s10, $0x1;
	s10 =	sld [smem:$0x3FB4];
	_ =	sdelay $0x3  }
0x37: {  	[smem:$0x3FB4] =	sst s10  }
0x38: {  	s10 =	sld [smem:$0x3FB5]  }
0x39: {  	_ = 	snop;
	(pc) =	sbr.ind lr, $3  }
0x3a: {  	_ = 	snop  }
0x3b: {  	_ = 	snop  }
0x3c: {  	p2 =	seq.s32 s10, $0x1;
	s10 =	sld [smem:$0x3FB4]  }
0x3d: {  	_ =	shalt  }
0x3e: {  	_ =	shalt  }
0x3f: {  	_ =	shalt  }
0x40: {  	_ =	shalt  }
0x41: {  	_ =	shalt  }
0x42: {  	_ =	shalt  }
0x43: {  	_ =	shalt  }
0x44: {  	_ =	shalt  }
0x45: {  	_ =	shalt  }
0x46: {  	_ =	shalt  }
0x47: {  	_ =	shalt  }
0x48: {  	_ =	shalt  }
0x49: {  	_ =	shalt  }
0x4a: {  	_ =	shalt  }
0x4b: {  	_ =	shalt  }
0x4c: {  	_ =	shalt  }
0x4d: {  	_ =	shalt  }
0x4e: {  	_ =	shalt  }
0x4f: {  	_ =	shalt  }
0x50: {  	_ =	shalt  }
0x51: {  	_ =	shalt  }
0x52: {  	_ =	shalt  }
0x53: {  	_ =	shalt  }
0x54: {  	_ =	shalt  }
0x55: {  	_ =	shalt  }
0x56: {  	_ =	shalt  }
0x57: {  	_ =	shalt  }
0x58: {  	_ =	shalt  }
0x59: {  	_ =	shalt  }
0x5a: {  	_ =	shalt  }
0x5b: {  	_ =	shalt  }
0x5c: {  	_ =	shalt  }
0x5d: {  	_ =	shalt  }
0x5e: {  	_ =	shalt  }
0x5f: {  	_ =	shalt  }
0x60: {  	_ =	shalt  }
0x61: {  	_ =	shalt  }
0x62: {  	_ =	shalt  }
0x63: {  	_ =	shalt  }
0x64: {  	_ =	shalt  }
0x65: {  	_ =	shalt  }
0x66: {  	_ =	shalt  }
0x67: {  	_ =	shalt  }
0x68: {  	_ =	shalt  }
0x69: {  	_ =	shalt  }
0x6a: {  	_ =	shalt  }
0x6b: {  	_ =	shalt  }
0x6c: {  	_ =	shalt  }
0x6d: {  	_ =	shalt  }
0x6e: {  	_ =	shalt  }
0x6f: {  	_ =	shalt  }
0x70: {  	_ =	shalt  }
0x71: {  	_ =	shalt  }
0x72: {  	_ =	shalt  }
0x73: {  	_ =	shalt  }
0x74: {  	_ =	shalt  }
0x75: {  	_ =	shalt  }
0x76: {  	_ =	shalt  }
0x77: {  	_ =	shalt  }
0x78: {  	_ =	shalt  }
0x79: {  	_ =	shalt  }
0x7a: {  	_ =	shalt  }
0x7b: {  	_ =	shalt  }
0x7c: {  	_ =	shalt  }
0x7d: {  	_ =	shalt  }
0x7e: {  	_ =	shalt  }
0x7f: {  	_ =	shalt  }
0x80: {  	_ =	shalt  }
0x81: {  	_ =	shalt  }
0x82: {  	_ =	shalt  }
0x83: {  	_ =	shalt  }
0x84: {  	_ =	shalt  }
0x85: {  	_ =	shalt  }
0x86: {  	_ =	shalt  }
0x87: {  	_ =	shalt  }
.Lfunc_end0:
.L_simem_size_0:
called_computation.2_lowered:
.L_overlay_start_0:
0x88: {  	s2 =	sld [smem:$0x3FD9]  }
0x89: {  	s3 =	sld [smem:$0x3FFE];
	_ =	sdelay $0x1  }
0x8a: {  	s1 =	srdreg.scid  }
0x8b: {  	s0 =	sand.u32 $0x1, s1  }
0x8c: {  	s17 =	sshll.u32 s0, $0xA;
	s2 =	sadd.s32 s3, s2  }
0x8d: {  	s2 =	sadd.s32 s2, s17  }
0x8e: {  	[smem:$0x3FC0] =	sst s2  }
0x8f: {  	_ = 	snop  }
0x90: {  	s2 =	sld [smem:$0x3FD0];
	(tm) =	ssettm $0x1  }
0x91: {  	s18 =	sld [smem:$0x3FFB];
	_ =	sdelay $0x3  }
0x92: {  	_ =	strace s18  }
0x93: {  	s3 =	sld [smem:$0x3FFC];
	_ =	sdelay $0x3  }
0x94: {  	_ =	strace s3  }
0x95: {  	s3 =	sld [smem:$0x3FFD];
	_ =	sdelay $0x3  }
0x96: {  	_ =	strace s3  }
0x97: {  	_ =	strace $0x8FFFFFFF  }
0x98: {  	s19 =	sld [smem:$0x3FDB];
	_ =	sdelay $0x1  }
0x99: {  	s4 =	simm.s32 $_scs_section_size  }
0x9a: {  	s5 =	simm.s32 $_size__tile_overlayer_lowered;
	s6 =	simm.s32 $_tile_overlayer_lowered  }
0x9b: {  	s22 =	simm.s32 $0x1BFF;
	s21 =	sshll.u32 s6, $0x1;
	s3 =	sadd.s32 s4, s19  }
0x9c: {  	s7 =	simm.s32 $0x0;
	s20 =	sshll.u32 s5, $0x1;
	s5 =	sadd.s32 s21, s3  }
0x9d: {  	[timem:s7], [sflag:s22] =	dma.local [hbm:s5], s20  }
0x9e: {  	_ =	swait.ge [sflag:s22], s20  }
0x9f: {  	s4 =	ssub.s32 $0x0, s20;
	[sflag:s22] =	ssyncset.done $0x0  }
0xa0: {  	[sflag:s22] =	ssyncadd.s32 s4;
	_ =	sdelay $0x1  }
0xa1: {  	s23 =	simm.s32 $0x1B8B  }
0xa2: {  	_ =	swait.ge [sflag:s23], $0x1  }
0xa3: {  	[sflag:s23] =	ssyncset.done $0x0  }
0xa4: {  	s25 =	simm.s32 $0x1B8E;
	s24 =	sld [smem:$0x3FFE];
	[sflag:s23] =	ssyncadd.s32 $0xFFFFFFFF  }
0xa5: {  	s26 =	simm.s32 $execute0_lowered;
	[smem:$0x3FD2] =	sst s25  }
0xa6: {  	s5 =	sshll.u32 s26, $0x1;
	_ =	strace $0x8000004C;
	[dreg:$0x1] =	wrdreg $0xFFFFFFFF  }
0xa7: {  	s28 =	simm.s32 $_size_execute0_lowered;
	s3 =	sadd.s32 s3, s5;
	[dreg:$0x0] =	wrdreg $0x0  }
0xa8: {  	s5 =	sshll.u32 s28, $0x1;
	[dreg:$0x2] =	wrdreg s3  }
0xa9: {  	[dreg:$0x3] =	wrdreg s5  }
0xaa: {  	[dreg:$0x4] =	wrdreg $0xC0  }
0xab: {  	_ =	task [dreg:s7], $0x5FFFF  }
0xac: {  	[dreg:$0x1] =	wrdreg $0xFFFFFFFF  }
0xad: {  	[dreg:$0x0] =	wrdreg $0x60  }
0xae: {  	[dreg:$0x2] =	wrdreg s24  }
0xaf: {  	[dreg:$0x3] =	wrdreg s2  }
0xb0: {  	[dreg:$0x4] =	wrdreg $0x90000  }
0xb1: {  	[dreg:$0x5] =	wrdreg $0x130000  }
0xb2: {  	[dreg:$0x6] =	wrdreg $0x9  }
0xb3: {  	_ =	task.clear_ibuf [dreg:s7], $0x7FFFF;
	_ =	strace $0x9000004C  }
0xb4: {  	s29 =	simm.s32 $0x9;
	_ =	strace $0x8000004E  }
0xb5: {  	_ =	swait.ge [sflag:s29], $0x1  }
0xb6: {  	[sflag:s29] =	ssyncadd.s32 $0xFFFFFFFF  }
0xb7: {  	_ =	strace $0x9000004E  }
0xb8: {  	_ =	sfence  }
0xb9: {  	s30 =	sld [smem:$0x0];
	_ =	sdelay $0x2  }
0xba: {  	s31 =	sshll.u32 s1, $0xD;
	s1 =	sshrl.u32 s1, $0x2  }
0xbb: {  	s3 =	sand.u32 $0x4000, s31;
	s1 =	sadd.s32 s1, s30  }
0xbc: {  	s0 =	sor.u32 s3, s0;
	s1 =	sshll.u32 s1, $0x11  }
0xbd: {  	s0 =	sor.u32 s1, s0  }
0xbe: {  	s0 =	sadd.s32 $0x8F2B, s0  }
0xbf: {  	[sflag:s0] =	ssyncadd.remote.s32 $0x1  }
0xc0: {  	_ =	sfence.sel $0xFFFF  }
0xc1: {  	[dreg:$0x0] =	wrdreg $0xFFFFFFFF;
	(pc) =	sbr.abs _section_cstart, $3  }
0xc2: {  	[dreg:$0x1] =	wrdreg $0xFFFFFFFF  }
0xc3: {  	_ =	task.clear_ibuf [dreg:s7], $0x2FFFF;
	_ =	strace $0x9FFFFFFF  }
0xc4: {  	(tm) =	ssettm $0x7FFFFFFF  }
0xc5: {  	_ =	shalt  }
tec
execute0_lowered:
.L_overlay_start_1:
0x0: {  	(tag) =	ssettag $0x1  }
0x1: {  	s5 =	rddreg [dreg:$0x0]  }
0x2: {  	s8 =	rddreg [dreg:$0x1]  }
0x3: {  	s0 =	srdreg.scid;
	s2 =	rddreg [dreg:$0x2]  }
0x4: {  	s3 =	rddreg [dreg:$0x3];
	s4 =	simm.s32 $0x0;
	s16 =	simm.s32 $0x5000  }
0x5: {  	s17 =	simm.s32 $0x7000;
	s18 =	simm.s32 $0x1;
	s19 =	simm.s32 $0x2  }
0x6: {  	s20 =	simm.s32 $0x4F00;
	s6 =	sand.u32 $0x1, s0;
	s0 =	stileid.u32  }
0x7: {  	s21 =	simm.s32 $0x4F80;
	[smem:$0x7FF] =	sst s4;
	s7 =	smul.u32 $0xA000, s0  }
0x8: {  	s1 =	sshll.u32 s6, $0x4;
	s10 =	smul.u32 $0x14000, s6;
	s6 =	ssub.s32 $0x2, s6  }
0x9: {  	s31 =	sshll.u32 s0, $0x6;
	s9 =	sor.u32 s0, s1;
	s1 =	rddreg [dreg:$0x4]  }
0xa: {  	_ =	strace $0x8000004D;
	s30 =	sshrl.u32 s6, $0x1;
	s9 =	smul.u32 $0x500, s9  }
0xb: {  	s22 =	sshrl.u32 s7, $0x3;
	s10 =	sadd.s32 s10, s5;
	s13 =	ssub.s32 s6, s30  }
0xc: {  	s14 =	sadd.s32 s7, s2;
	s6 =	sor.u32 $0x1C03, s31;
	s15 =	sadd.s32 s7, s3  }
0xd: {  	s11 =	sadd.s32 s22, s5;
	s23 =	sadd.s32 $0x33800, s10;
	s10 =	smax.u32 s13, $0x1  }
0xe: {  	s13 =	sshrl.u32 s15, $0x3;
	s15 =	simm.s32 $0x80;
	s12 =	sadd.s32 s9, s5  }
0xf: {  	s5 =	sadd.s32 $0x1F800, s11;
	s7 =	sadd.s32 $0xB800, s11;
	s8 =	sadd.s32 s8, s9  }
0x10: {  	s11 =	sshrl.u32 s14, $0x3;
	s14 =	simm.s32 $0x2800;
	s22 =	sadd.s32 s22, s23  }
0x11: {  	s23 =	simm.s32 $0x0;
	s9 =	sadd.s32 $0x1800, s12;
	s12 =	simm.s32 $0x3  }
.LBB2_1:
0x12: {  	[spmem:s11], [sflag:s6] =	dma.local [hbm:s5], $0x1400  }
0x13: {  	_ =	swait.ge [sflag:s12], $0x1400  }
0x14: {  	[sflag:s12] =	ssyncset.done $0x0  }
0x15: {  	[sflag:s12] =	ssyncadd.s32 $0xFFFFEC00  }
0x16: {  	[spmem:s13], [sflag:s6] =	dma.local [hbm:s7], $0x1400  }
0x17: {  	_ =	swait.ge [sflag:s12], $0x1400  }
0x18: {  	[sflag:s12] =	ssyncset.done $0x0  }
0x19: {  	[sflag:s12] =	ssyncadd.s32 $0xFFFFEC00  }
0x1a: {  	[tilespmem:s4], [sflag:$0x3] =	stream.linear.gather [hbm4b:s8+s4], $0x2800, $0x38;
	[tilespmem:$0x1D000] =	vst v63  }
0x1b: {  	_ =	swait.ge [sflag:s12], $0x2800  }
0x1c: {  	[sflag:s12] =	ssyncset.done $0x0  }
0x1d: {  	[sflag:s12] =	ssyncadd.s32 $0xFFFFD800  }
0x1e: {  	[tilespmem:s14], [sflag:$0x3] =	stream.linear.gather [hbm4b:s9+s4], $0x2800, $0x38;
	[tilespmem:$0x1D000] =	vst v63  }
0x1f: {  	_ =	swait.ge [sflag:s12], $0x2800  }
0x20: {  	[sflag:s12] =	ssyncset.done $0x0  }
0x21: {  	[sflag:s12] =	ssyncadd.s32 $0xFFFFD800  }
0x22: {  	[bflag:$0x0] =	sbarrier.arrive $0xFFFF  }
0x23: {  	[tilespmem:s16], [sflag:$0x1] =	stream.indirect.gather [spmem:s3], $0x40, s4, s15, $0xb8;
	[tilespmem:$0x1D000] =	vst v63  }
0x24: {  	_ = 	snop  }
0x25: {  	[tilespmem:s17], [sflag:$0x2] =	stream.indirect.gather [spmem:s3], $0x40, s15, s15, $0xb8;
	[tilespmem:$0x1D000] =	vst v63  }
0x26: {  	_ =	swait.ge [sflag:s18], $0x2000  }
0x27: {  	[sflag:s18] =	ssyncset.done $0x0  }
0x28: {  	s24 =	simm.s32 $0x2800;
	[sflag:s18] =	ssyncadd.s32 $0xFFFFE000  }
0x29: {  	[spmem:s2] =	stream.indirect.scatter.add.f32 [tilespmem:s16], [sflag:$0x3], $0x40, s24, s15, $0xb8;
	[tilespmem:$0x1D000] =	vst v63  }
0x2a: {  	_ =	swait.ge [sflag:s12], $0x2000  }
0x2b: {  	[sflag:s12] =	ssyncset.done $0x0  }
0x2c: {  	s30 =	simm.s32 $0x100;
	[sflag:s12] =	ssyncadd.s32 $0xFFFFE000  }
0x2d: {  	[tilespmem:s16], [sflag:$0x1] =	stream.indirect.gather [spmem:s3], $0x40, s30, s15, $0xb8;
	[tilespmem:$0x1D000] =	vst v63  }
0x2e: {  	_ =	swait.ge [sflag:s19], $0x2000  }
0x2f: {  	[sflag:s19] =	ssyncset.done $0x0  }
0x30: {  	s31 =	simm.s32 $0x2880;
	[sflag:s19] =	ssyncadd.s32 $0xFFFFE000  }
0x31: {  	[spmem:s2] =	stream.indirect.scatter.add.f32 [tilespmem:s17], [sflag:$0x3], $0x40, s31, s15, $0xb8;
	[tilespmem:$0x1D000] =	vst v63  }
0x32: {  	_ =	swait.ge [sflag:s12], $0x2000  }
0x33: {  	[sflag:s12] =	ssyncset.done $0x0  }
0x34: {  	s25 =	simm.s32 $0x180;
	s24 =	simm.s32 $0x400;
	[sflag:s12] =	ssyncadd.s32 $0xFFFFE000  }
.LBB2_2:
0x35: {  	[tilespmem:s17], [sflag:$0x2] =	stream.indirect.gather [spmem:s3], $0x40, s25, s15, $0xb8;
	[tilespmem:$0x1D000] =	vst v63  }
0x36: {  	s25 =	smov.u32 s24  }
0x37: {  	p0 =	sne.s32 s24, $0x9800;
	s24 =	sadd.s32 $0x400, s24;
	_ =	swait.ge [sflag:s18], $0x2000  }
0x38: {  	s25 =	sshra.s32 s25, $0x2;
	[sflag:s18] =	ssyncset.done $0x0  }
0x39: {  	s26 =	sadd.s32 $0x2800, s25;
	[sflag:s18] =	ssyncadd.s32 $0xFFFFE000  }
0x3a: {  	[spmem:s2] =	stream.indirect.scatter.add.f32 [tilespmem:s16], [sflag:$0x3], $0x40, s26, s15, $0xb8;
	[tilespmem:$0x1D000] =	vst v63  }
0x3b: {  	_ =	swait.ge [sflag:s12], $0x2000  }
0x3c: {  	[sflag:s12] =	ssyncset.done $0x0  }
0x3d: {  	s26 =	sadd.s32 $0x100, s25;
	[sflag:s12] =	ssyncadd.s32 $0xFFFFE000  }
0x3e: {  	[tilespmem:s16], [sflag:$0x1] =	stream.indirect.gather [spmem:s3], $0x40, s26, s15, $0xb8;
	[tilespmem:$0x1D000] =	vst v63  }
0x3f: {  	_ =	swait.ge [sflag:s19], $0x2000  }
0x40: {  	[sflag:s19] =	ssyncset.done $0x0  }
.Ltmp0:
0x41: {  	s26 =	sadd.s32 $0x2880, s25;
	[sflag:s19] =	ssyncadd.s32 $0xFFFFE000;
	(pc) =	sbr.rel @p0 .LBB2_2-.Ltmp0, $4  }
0x42: {  	[spmem:s2] =	stream.indirect.scatter.add.f32 [tilespmem:s17], [sflag:$0x3], $0x40, s26, s15, $0xb8;
	[tilespmem:$0x1D000] =	vst v63  }
0x43: {  	_ =	swait.ge [sflag:s12], $0x2000  }
0x44: {  	[sflag:s12] =	ssyncset.done $0x0  }
0x45: {  	s25 =	sadd.s32 $0x180, s25;
	[sflag:s12] =	ssyncadd.s32 $0xFFFFE000  }
0x46: {  	[tilespmem:s17], [sflag:$0x2] =	stream.indirect.gather [spmem:s3], $0x40, s25, s15, $0xb8;
	[tilespmem:$0x1D000] =	vst v63  }
0x47: {  	_ =	swait.ge [sflag:s18], $0x2000  }
0x48: {  	[sflag:s18] =	ssyncset.done $0x0  }
0x49: {  	[sflag:s18] =	ssyncadd.s32 $0xFFFFE000  }
0x4a: {  	[spmem:s2] =	stream.indirect.scatter.add.f32 [tilespmem:s16], [sflag:$0x3], $0x40, s20, s15, $0xb8;
	[tilespmem:$0x1D000] =	vst v63  }
0x4b: {  	_ =	swait.ge [sflag:s12], $0x2000  }
0x4c: {  	[sflag:s12] =	ssyncset.done $0x0  }
0x4d: {  	[sflag:s12] =	ssyncadd.s32 $0xFFFFE000  }
0x4e: {  	_ =	swait.ge [sflag:s19], $0x2000  }
0x4f: {  	[sflag:s19] =	ssyncset.done $0x0  }
0x50: {  	[sflag:s19] =	ssyncadd.s32 $0xFFFFE000  }
0x51: {  	[spmem:s2] =	stream.indirect.scatter.add.f32 [tilespmem:s17], [sflag:$0x3], $0x40, s21, s15, $0xb8;
	[tilespmem:$0x1D000] =	vst v63  }
0x52: {  	_ =	swait.ge [sflag:s12], $0x2000  }
0x53: {  	s23 =	sadd.s32 $0x1, s23;
	[sflag:s12] =	ssyncset.done $0x0  }
0x54: {  	p0 =	sne.s32 s23, s10;
	[sflag:s12] =	ssyncadd.s32 $0xFFFFE000  }
.Ltmp1:
0x55: {  	[bflag:$0x0] =	sbarrier.arrive $0xFFFF;
	(pc) =	sbr.rel @p0 .LBB2_1-.Ltmp1, $4  }
0x56: {  	[hbm:s22], [sflag:s6] =	dma.local [spmem:s11], $0x1400  }
0x57: {  	_ =	swait.ge [sflag:s12], $0x1400  }
0x58: {  	[sflag:s12] =	ssyncset.done $0x0  }
0x59: {  	[sflag:s12] =	ssyncadd.s32 $0xFFFFEC00  }
0x5a: {  	_ =	sfence.sel $0x180000  }
0x5b: {  	[bflag:$0x0] =	sbarrier.arrive $0xFFFF  }
0x5c: {  	p0 =	sne.s32 s0, $0x0;
	_ =	strace $0x9000004D  }
0x5d: {  	s0 =	sadd.s32 @!p0 $0x100000, s1;
	[bflag:$0x2] =	sbarrier.arrive $0xFFFF  }
0x5e: {  	[sflag:s0] =	ssyncadd.tile.s32 @!p0 $0x1;
	_ =	shalt  }
.Lfunc_end2:
_tile_overlayer_lowered:
.L_overlay_start_2:
0x5f: {  	(tag) =	ssettag $0x2  }
0x60: {  	s0 =	rddreg [dreg:$0x0];
	s2 =	stileid.u32  }
0x61: {  	s1 =	rddreg [dreg:$0x1];
	p0 =	sne.s32 s2, $0x0  }
0x62: {  	s3 =	rddreg [dreg:$0x2];
	[bflag:$0x3] =	sbarrier.arrive $0xFFFF;
	s2 =	simm.s32 @!p0 $0x1C03  }
0x63: {  	[timem:s3], [sflag:s2] =	dma.local @!p0 [hbm:s0], s1  }
0x64: {  	s0 =	simm.s32 @!p0 $0x3  }
0x65: {  	_ =	swait.ge @!p0 [sflag:s0], s1  }
0x66: {  	s1 =	ssub.s32 @!p0 $0x0, s1;
	[sflag:s0] =	ssyncset.done @!p0 $0x0  }
0x67: {  	[sflag:s0] =	ssyncadd.s32 @!p0 s1  }
0x68: {  	[bflag:$0x3] =	sbarrier.arrive $0xFFFF  }
0x69: {  	_ =	shalt  }

// kernel: kernel.8.cloned.1.call-start
scs
__scs_entry_jumppad:
0x0: {  	(pc) =	sbr.rel $0x88, $3  }
0x1: {  	(tag) =	ssettag $0x0;
	lr =	simm.s32 $0x1  }
0x2: {  	[smem:$0x3F99] =	sst lr;
	_ =	strace $0xD0000000  }
0x3: {  	_ = 	snop  }
0x4: {  	_ = 	snop  }
0x5: {  	_ = 	snop  }
0x6: {  	_ = 	snop  }
0x7: {  	_ = 	snop  }
__scs_overlays_trampoline_lowered:
0x8: {  	[smem:$0x3FA8] =	sst s0  }
0x9: {  	[smem:$0x3FA9] =	sst s1  }
0xa: {  	[smem:$0x3FAA] =	sst s2  }
0xb: {  	[smem:$0x3FAB] =	sst s3  }
0xc: {  	[smem:$0x3FAC] =	sst s4  }
0xd: {  	[smem:$0x3FAD] =	sst s5  }
0xe: {  	[smem:$0x3FAE] =	sst s6  }
0xf: {  	[smem:$0x3FAF] =	sst s7  }
0x10: {  	[smem:$0x3FB0] =	sst s8  }
0x11: {  	[smem:$0x3FB1] =	sst s9;
	s0 =	simm.s32 @!p0 $0x0  }
0x12: {  	s1 =	sld [smem:$0x3F97];
	s0 =	simm.s32 @p0 $0x1  }
0x13: {  	[smem:$0x3FB2] =	sst s0;
	s0 =	simm.s32 @!p1 $0x0  }
0x14: {  	s2 =	sld [smem:$0x3F96];
	s0 =	simm.s32 @p1 $0x1  }
0x15: {  	[smem:$0x3FB3] =	sst s0;
	s0 =	simm.s32 @!p2 $0x0  }
0x16: {  	s3 =	sld [smem:$0x3FDB];
	s0 =	simm.s32 @p2 $0x1  }
0x17: {  	s4 =	simm.s32 $0x1BF5;
	[smem:$0x3FB5] =	sst s0  }
0x18: {  	s0 =	sld [smem:$0x3F98];
	_ =	swait.ge [sflag:s4], $0x0  }
0x19: {  	s7 =	sld [smem:$0x3F99]  }
0x1a: {  	s8 =	sadd.s32 $0xFFFFE003, lr  }
0x1b: {  	s9 =	sadd.s32 $0xFFFFFEF7, lr;
	s5 =	simm.s32 $0xFFFFFFFF;
	p2 =	slt.u32 s8, $0xFFFFF086  }
0x1c: {  	p1 =	slt.u32 s9, $0xF7A;
	s5 =	simm.s32 @!p2 $0x0  }
0x1d: {  	s5 =	simm.s32 @p1 $0x1;
	p0 =	seq.s32 s7, s2  }
0x1e: {  	s7 =	smul.u32 @!p0 $0xF7A, s2;
	p2 =	seq.s32 @!p0 s5, $0x0  }
0x1f: {  	s9 =	smul.u32 $0xF7A, s1;
	s8 =	simm.s32 @!p0 $0x1BF5;
	p2 =	por !p2, p0  }
0x20: {  	[sflag:s8] =	ssyncset.s32 @!p0 $0xFFFFF086;
	s6 =	sadd.s32 @!p0 s3, s7;
	s7 =	simm.s32 @!p0 $0x108  }
0x21: {  	s3 =	sadd.s32 s3, s9;
	s6 =	sadd.s32 @!p0 $0x88, s6;
	s7 =	simm.s32 @p2 $0x1082  }
0x22: {  	[simem:s7], [sflag:s8] =	dma.local @!p0 [hbm:s6], $0xF7A  }
0x23: {  	s9 =	sor.u32 $0xD0000000, s2;
	s6 =	simm.s32 $0x108;
	_ =	swait.ge @!p0 [sflag:s8], $0x0  }
0x24: {  	s3 =	sadd.s32 $0x88, s3;
	s6 =	simm.s32 @!p1 $0x1082;
	[sflag:s4] =	ssyncset.s32 $0xFFFFF086  }
0x25: {  	[simem:s6], [sflag:s4] =	dma.local [hbm:s3], $0xF7A  }
0x26: {  	[smem:$0x3F99] =	sst s1;
	(tag) =	ssettag s2;
	_ =	strace s9  }
0x27: {  	s1 =	sld [smem:$0x3FA9]  }
0x28: {  	s2 =	sld [smem:$0x3FAA]  }
0x29: {  	s4 =	sld [smem:$0x3FAC]  }
0x2a: {  	p0 =	seq.s32 s5, $0x0;
	s5 =	sld [smem:$0x3FAD]  }
0x2b: {  	s6 =	sld [smem:$0x3FAE]  }
0x2c: {  	s7 =	sld [smem:$0x3FAF]  }
0x2d: {  	s3 =	simm.s32 $0x108;
	s8 =	sld [smem:$0x3FB0]  }
0x2e: {  	s3 =	simm.s32 @!p0 $0x1082;
	s9 =	sld [smem:$0x3FB1]  }
0x2f: {  	lr =	sadd.s32 s0, s3;
	s0 =	sld [smem:$0x3FA8]  }
0x30: {  	s3 =	sld [smem:$0x3FAB]  }
0x31: {  	[smem:$0x3FB4] =	sst s10  }
0x32: {  	s10 =	sld [smem:$0x3FB2];
	_ =	sdelay $0x3  }
0x33: {  	p0 =	seq.s32 s10, $0x1;
	s10 =	sld [smem:$0x3FB4];
	_ =	sdelay $0x3  }
0x34: {  	[smem:$0x3FB4] =	sst s10  }
0x35: {  	s10 =	sld [smem:$0x3FB3];
	_ =	sdelay $0x3  }
0x36: {  	p1 =	seq.s32 s10, $0x1;
	s10 =	sld [smem:$0x3FB4];
	_ =	sdelay $0x3  }
0x37: {  	[smem:$0x3FB4] =	sst s10  }
0x38: {  	s10 =	sld [smem:$0x3FB5]  }
0x39: {  	_ = 	snop;
	(pc) =	sbr.ind lr, $3  }
0x3a: {  	_ = 	snop  }
0x3b: {  	_ = 	snop  }
0x3c: {  	p2 =	seq.s32 s10, $0x1;
	s10 =	sld [smem:$0x3FB4]  }
0x3d: {  	_ =	shalt  }
0x3e: {  	_ =	shalt  }
0x3f: {  	_ =	shalt  }
0x40: {  	_ =	shalt  }
0x41: {  	_ =	shalt  }
0x42: {  	_ =	shalt  }
0x43: {  	_ =	shalt  }
0x44: {  	_ =	shalt  }
0x45: {  	_ =	shalt  }
0x46: {  	_ =	shalt  }
0x47: {  	_ =	shalt  }
0x48: {  	_ =	shalt  }
0x49: {  	_ =	shalt  }
0x4a: {  	_ =	shalt  }
0x4b: {  	_ =	shalt  }
0x4c: {  	_ =	shalt  }
0x4d: {  	_ =	shalt  }
0x4e: {  	_ =	shalt  }
0x4f: {  	_ =	shalt  }
0x50: {  	_ =	shalt  }
0x51: {  	_ =	shalt  }
0x52: {  	_ =	shalt  }
0x53: {  	_ =	shalt  }
0x54: {  	_ =	shalt  }
0x55: {  	_ =	shalt  }
0x56: {  	_ =	shalt  }
0x57: {  	_ =	shalt  }
0x58: {  	_ =	shalt  }
0x59: {  	_ =	shalt  }
0x5a: {  	_ =	shalt  }
0x5b: {  	_ =	shalt  }
0x5c: {  	_ =	shalt  }
0x5d: {  	_ =	shalt  }
0x5e: {  	_ =	shalt  }
0x5f: {  	_ =	shalt  }
0x60: {  	_ =	shalt  }
0x61: {  	_ =	shalt  }
0x62: {  	_ =	shalt  }
0x63: {  	_ =	shalt  }
0x64: {  	_ =	shalt  }
0x65: {  	_ =	shalt  }
0x66: {  	_ =	shalt  }
0x67: {  	_ =	shalt  }
0x68: {  	_ =	shalt  }
0x69: {  	_ =	shalt  }
0x6a: {  	_ =	shalt  }
0x6b: {  	_ =	shalt  }
0x6c: {  	_ =	shalt  }
0x6d: {  	_ =	shalt  }
0x6e: {  	_ =	shalt  }
0x6f: {  	_ =	shalt  }
0x70: {  	_ =	shalt  }
0x71: {  	_ =	shalt  }
0x72: {  	_ =	shalt  }
0x73: {  	_ =	shalt  }
0x74: {  	_ =	shalt  }
0x75: {  	_ =	shalt  }
0x76: {  	_ =	shalt  }
0x77: {  	_ =	shalt  }
0x78: {  	_ =	shalt  }
0x79: {  	_ =	shalt  }
0x7a: {  	_ =	shalt  }
0x7b: {  	_ =	shalt  }
0x7c: {  	_ =	shalt  }
0x7d: {  	_ =	shalt  }
0x7e: {  	_ =	shalt  }
0x7f: {  	_ =	shalt  }
0x80: {  	_ =	shalt  }
0x81: {  	_ =	shalt  }
0x82: {  	_ =	shalt  }
0x83: {  	_ =	shalt  }
0x84: {  	_ =	shalt  }
0x85: {  	_ =	shalt  }
0x86: {  	_ =	shalt  }
0x87: {  	_ =	shalt  }
.Lfunc_end0:
.L_simem_size_0:
called_computation_lowered:
.L_overlay_start_0:
0x88: {  	s2 =	sld [smem:$0x3FD9]  }
0x89: {  	s3 =	sld [smem:$0x3FFE];
	_ =	sdelay $0x1  }
0x8a: {  	s1 =	srdreg.scid  }
0x8b: {  	s0 =	sand.u32 $0x1, s1  }
0x8c: {  	s17 =	sshll.u32 s0, $0xA;
	s2 =	sadd.s32 s3, s2  }
0x8d: {  	s2 =	sadd.s32 s2, s17  }
0x8e: {  	[smem:$0x3FC0] =	sst s2  }
0x8f: {  	_ = 	snop  }
0x90: {  	s18 =	sld [smem:$0x3FD0];
	(tm) =	ssettm $0x1  }
0x91: {  	s19 =	sld [smem:$0x3FFB];
	_ =	sdelay $0x3  }
0x92: {  	_ =	strace s19  }
0x93: {  	s2 =	sld [smem:$0x3FFC];
	_ =	sdelay $0x3  }
0x94: {  	_ =	strace s2  }
0x95: {  	s2 =	sld [smem:$0x3FFD];
	_ =	sdelay $0x3  }
0x96: {  	_ =	strace s2  }
0x97: {  	_ =	strace $0x8FFFFFFF  }
0x98: {  	s20 =	sld [smem:$0x3FDB];
	_ =	sdelay $0x1  }
0x99: {  	s4 =	simm.s32 $_scs_section_size  }
0x9a: {  	s5 =	simm.s32 $_size__tile_overlayer_lowered;
	s6 =	simm.s32 $_tile_overlayer_lowered  }
0x9b: {  	s7 =	simm.s32 $0x1BFF;
	s21 =	sshll.u32 s6, $0x1;
	s4 =	sadd.s32 s4, s20  }
0x9c: {  	s22 =	simm.s32 $0x0;
	s5 =	sshll.u32 s5, $0x1;
	s6 =	sadd.s32 s21, s4  }
0x9d: {  	[timem:s22], [sflag:s7] =	dma.local [hbm:s6], s5  }
0x9e: {  	_ =	swait.ge [sflag:s7], s5  }
0x9f: {  	s5 =	ssub.s32 $0x0, s5;
	[sflag:s7] =	ssyncset.done $0x0  }
0xa0: {  	[sflag:s7] =	ssyncadd.s32 s5;
	_ =	sdelay $0x1  }
0xa1: {  	s23 =	simm.s32 $0x1B8B  }
0xa2: {  	_ =	swait.ge [sflag:s23], $0x1  }
0xa3: {  	[sflag:s23] =	ssyncset.done $0x0  }
0xa4: {  	[sflag:s23] =	ssyncadd.s32 $0xFFFFFFFF  }
0xa5: {  	s5 =	sld [smem:$0x0]  }
0xa6: {  	s6 =	sand.u32 $0xFFFFFFFE, s1  }
0xa7: {  	p0 =	sne.s32 s1, s6  }
0xa8: {  	s6 =	sshll.u32 @p0 s6, $0xE  }
0xa9: {  	s6 =	sadd.s32 @p0 $0x11B8D, s6;
	s7 =	sshll.u32 @p0 s5, $0x11  }
0xaa: {  	s6 =	sor.u32 @p0 s7, s6  }
0xab: {  	[sflag:s6] =	ssyncadd.remote.s32 @p0 $0x1;
	_ =	sdelay $0x1  }
0xac: {  	s6 =	simm.s32 @p0 $0x1B8D  }
0xad: {  	_ =	swait.eq @p0 [sflag:s6], $0x1  }
0xae: {  	[sflag:s6] =	ssyncadd.s32 @p0 $0xFFFFFFFF  }
0xaf: {  	s7 =	sshll.u32 @!p0 s1, $0xE  }
0xb0: {  	s7 =	sor.u32 @!p0 $0x4000, s7;
	s6 =	simm.s32 @!p0 $0x1B8D  }
0xb1: {  	s5 =	sshll.u32 @!p0 s5, $0x11;
	s7 =	sadd.s32 @!p0 $0x11B8D, s7;
	_ =	swait.eq @!p0 [sflag:s6], $0x1  }
0xb2: {  	s5 =	sor.u32 @!p0 s5, s7;
	[sflag:s6] =	ssyncadd.s32 @!p0 $0xFFFFFFFF  }
0xb3: {  	s25 =	simm.s32 $0x1B8E;
	s24 =	sld [smem:$0x3FFE];
	[sflag:s5] =	ssyncadd.remote.s32 @!p0 $0x1  }
0xb4: {  	s26 =	simm.s32 $execute0_lowered;
	[smem:$0x3FD2] =	sst s25  }
0xb5: {  	s6 =	sshll.u32 s26, $0x1;
	_ =	strace $0x80000049;
	[dreg:$0x1] =	wrdreg $0xFFFFFFFF  }
0xb6: {  	s28 =	simm.s32 $_size_execute0_lowered;
	s4 =	sadd.s32 s4, s6;
	[dreg:$0x0] =	wrdreg $0x0  }
0xb7: {  	s6 =	sshll.u32 s28, $0x1;
	[dreg:$0x2] =	wrdreg s4  }
0xb8: {  	[dreg:$0x3] =	wrdreg s6  }
0xb9: {  	[dreg:$0x4] =	wrdreg $0xC0  }
0xba: {  	_ =	task [dreg:s22], $0x5FFFF  }
0xbb: {  	[dreg:$0x1] =	wrdreg $0xFFFFFFFF  }
0xbc: {  	[dreg:$0x0] =	wrdreg $0x60  }
0xbd: {  	[dreg:$0x2] =	wrdreg s24  }
0xbe: {  	[dreg:$0x3] =	wrdreg s18  }
0xbf: {  	[dreg:$0x4] =	wrdreg $0x90000  }
0xc0: {  	[dreg:$0x5] =	wrdreg $0x130000  }
0xc1: {  	[dreg:$0x6] =	wrdreg $0x9  }
0xc2: {  	_ =	task.clear_ibuf [dreg:s22], $0x7FFFF;
	_ =	strace $0x90000049  }
0xc3: {  	s29 =	simm.s32 $0x9;
	_ =	strace $0x8000004B  }
0xc4: {  	_ =	swait.ge [sflag:s29], $0x1  }
0xc5: {  	[sflag:s29] =	ssyncadd.s32 $0xFFFFFFFF  }
0xc6: {  	_ =	strace $0x9000004B  }
0xc7: {  	_ =	sfence  }
0xc8: {  	s30 =	sld [smem:$0x0];
	_ =	sdelay $0x2  }
0xc9: {  	s31 =	sshll.u32 s1, $0xD;
	s1 =	sshrl.u32 s1, $0x2  }
0xca: {  	s4 =	sand.u32 $0x4000, s31;
	s1 =	sadd.s32 s1, s30  }
0xcb: {  	s0 =	sor.u32 s4, s0;
	s1 =	sshll.u32 s1, $0x11  }
0xcc: {  	s0 =	sor.u32 s1, s0  }
0xcd: {  	s0 =	sadd.s32 $0x8F2B, s0  }
0xce: {  	[sflag:s0] =	ssyncadd.remote.s32 $0x1  }
0xcf: {  	_ =	sfence.sel $0xFFFF  }
0xd0: {  	[dreg:$0x0] =	wrdreg $0xFFFFFFFF;
	(pc) =	sbr.abs _section_cstart, $3  }
0xd1: {  	[dreg:$0x1] =	wrdreg $0xFFFFFFFF  }
0xd2: {  	_ =	task.clear_ibuf [dreg:s22], $0x2FFFF;
	_ =	strace $0x9FFFFFFF  }
0xd3: {  	(tm) =	ssettm $0x7FFFFFFF  }
tec
execute0_lowered:
.L_overlay_start_1:
0x0: {  	(tag) =	ssettag $0x1  }
0x1: {  	s5 =	rddreg [dreg:$0x0]  }
0x2: {  	s8 =	rddreg [dreg:$0x1]  }
0x3: {  	s0 =	srdreg.scid;
	s2 =	rddreg [dreg:$0x2]  }
0x4: {  	s3 =	rddreg [dreg:$0x3];
	s4 =	simm.s32 $0x0;
	s16 =	simm.s32 $0x5000  }
0x5: {  	s17 =	simm.s32 $0x7000;
	s18 =	simm.s32 $0x1;
	s19 =	simm.s32 $0x2  }
0x6: {  	s20 =	simm.s32 $0x4F00;
	s6 =	sand.u32 $0x1, s0;
	s0 =	stileid.u32  }
0x7: {  	s21 =	simm.s32 $0x4F80;
	[smem:$0x7FF] =	sst s4;
	s7 =	smul.u32 $0xA000, s0  }
0x8: {  	s1 =	sshll.u32 s6, $0x4;
	s10 =	smul.u32 $0x14000, s6;
	s6 =	ssub.s32 $0x2, s6  }
0x9: {  	s31 =	sshll.u32 s0, $0x6;
	s9 =	sor.u32 s0, s1;
	s1 =	rddreg [dreg:$0x4]  }
0xa: {  	_ =	strace $0x8000004A;
	s30 =	sshrl.u32 s6, $0x1;
	s9 =	smul.u32 $0x500, s9  }
0xb: {  	s22 =	sshrl.u32 s7, $0x3;
	s10 =	sadd.s32 s10, s5;
	s13 =	ssub.s32 s6, s30  }
0xc: {  	s14 =	sadd.s32 s7, s2;
	s6 =	sor.u32 $0x1C03, s31;
	s15 =	sadd.s32 s7, s3  }
0xd: {  	s11 =	sadd.s32 s22, s5;
	s23 =	sadd.s32 $0x83800, s10;
	s10 =	smax.u32 s13, $0x1  }
0xe: {  	s13 =	sshrl.u32 s15, $0x3;
	s15 =	simm.s32 $0x80;
	s12 =	sadd.s32 s9, s5  }
0xf: {  	s5 =	sadd.s32 $0xB800, s11;
	s7 =	sadd.s32 $0x5B800, s11;
	s8 =	sadd.s32 s8, s9  }
0x10: {  	s11 =	sshrl.u32 s14, $0x3;
	s14 =	simm.s32 $0x2800;
	s22 =	sadd.s32 s22, s23  }
0x11: {  	s23 =	simm.s32 $0x0;
	s9 =	sadd.s32 $0x1800, s12;
	s12 =	simm.s32 $0x3  }
.LBB2_1:
0x12: {  	[spmem:s11], [sflag:s6] =	dma.local [hbm:s5], $0x1400  }
0x13: {  	_ =	swait.ge [sflag:s12], $0x1400  }
0x14: {  	[sflag:s12] =	ssyncset.done $0x0  }
0x15: {  	[sflag:s12] =	ssyncadd.s32 $0xFFFFEC00  }
0x16: {  	[spmem:s13], [sflag:s6] =	dma.local [hbm:s7], $0x1400  }
0x17: {  	_ =	swait.ge [sflag:s12], $0x1400  }
0x18: {  	[sflag:s12] =	ssyncset.done $0x0  }
0x19: {  	[sflag:s12] =	ssyncadd.s32 $0xFFFFEC00  }
0x1a: {  	[tilespmem:s4], [sflag:$0x3] =	stream.linear.gather [hbm4b:s8+s4], $0x2800, $0x38;
	[tilespmem:$0x1D000] =	vst v63  }
0x1b: {  	_ =	swait.ge [sflag:s12], $0x2800  }
0x1c: {  	[sflag:s12] =	ssyncset.done $0x0  }
0x1d: {  	[sflag:s12] =	ssyncadd.s32 $0xFFFFD800  }
0x1e: {  	[tilespmem:s14], [sflag:$0x3] =	stream.linear.gather [hbm4b:s9+s4], $0x2800, $0x38;
	[tilespmem:$0x1D000] =	vst v63  }
0x1f: {  	_ =	swait.ge [sflag:s12], $0x2800  }
0x20: {  	[sflag:s12] =	ssyncset.done $0x0  }
0x21: {  	[sflag:s12] =	ssyncadd.s32 $0xFFFFD800  }
0x22: {  	[bflag:$0x0] =	sbarrier.arrive $0xFFFF  }
0x23: {  	[tilespmem:s16], [sflag:$0x1] =	stream.indirect.gather [spmem:s3], $0x40, s4, s15, $0xb8;
	[tilespmem:$0x1D000] =	vst v63  }
0x24: {  	_ = 	snop  }
0x25: {  	[tilespmem:s17], [sflag:$0x2] =	stream.indirect.gather [spmem:s3], $0x40, s15, s15, $0xb8;
	[tilespmem:$0x1D000] =	vst v63  }
0x26: {  	_ =	swait.ge [sflag:s18], $0x2000  }
0x27: {  	[sflag:s18] =	ssyncset.done $0x0  }
0x28: {  	s24 =	simm.s32 $0x2800;
	[sflag:s18] =	ssyncadd.s32 $0xFFFFE000  }
0x29: {  	[spmem:s2] =	stream.indirect.scatter.add.f32 [tilespmem:s16], [sflag:$0x3], $0x40, s24, s15, $0xb8;
	[tilespmem:$0x1D000] =	vst v63  }
0x2a: {  	_ =	swait.ge [sflag:s12], $0x2000  }
0x2b: {  	[sflag:s12] =	ssyncset.done $0x0  }
0x2c: {  	s30 =	simm.s32 $0x100;
	[sflag:s12] =	ssyncadd.s32 $0xFFFFE000  }
0x2d: {  	[tilespmem:s16], [sflag:$0x1] =	stream.indirect.gather [spmem:s3], $0x40, s30, s15, $0xb8;
	[tilespmem:$0x1D000] =	vst v63  }
0x2e: {  	_ =	swait.ge [sflag:s19], $0x2000  }
0x2f: {  	[sflag:s19] =	ssyncset.done $0x0  }
0x30: {  	s31 =	simm.s32 $0x2880;
	[sflag:s19] =	ssyncadd.s32 $0xFFFFE000  }
0x31: {  	[spmem:s2] =	stream.indirect.scatter.add.f32 [tilespmem:s17], [sflag:$0x3], $0x40, s31, s15, $0xb8;
	[tilespmem:$0x1D000] =	vst v63  }
0x32: {  	_ =	swait.ge [sflag:s12], $0x2000  }
0x33: {  	[sflag:s12] =	ssyncset.done $0x0  }
0x34: {  	s25 =	simm.s32 $0x180;
	s24 =	simm.s32 $0x400;
	[sflag:s12] =	ssyncadd.s32 $0xFFFFE000  }
.LBB2_2:
0x35: {  	[tilespmem:s17], [sflag:$0x2] =	stream.indirect.gather [spmem:s3], $0x40, s25, s15, $0xb8;
	[tilespmem:$0x1D000] =	vst v63  }
0x36: {  	s25 =	smov.u32 s24  }
0x37: {  	p0 =	sne.s32 s24, $0x9800;
	s24 =	sadd.s32 $0x400, s24;
	_ =	swait.ge [sflag:s18], $0x2000  }
0x38: {  	s25 =	sshra.s32 s25, $0x2;
	[sflag:s18] =	ssyncset.done $0x0  }
0x39: {  	s26 =	sadd.s32 $0x2800, s25;
	[sflag:s18] =	ssyncadd.s32 $0xFFFFE000  }
0x3a: {  	[spmem:s2] =	stream.indirect.scatter.add.f32 [tilespmem:s16], [sflag:$0x3], $0x40, s26, s15, $0xb8;
	[tilespmem:$0x1D000] =	vst v63  }
0x3b: {  	_ =	swait.ge [sflag:s12], $0x2000  }
0x3c: {  	[sflag:s12] =	ssyncset.done $0x0  }
0x3d: {  	s26 =	sadd.s32 $0x100, s25;
	[sflag:s12] =	ssyncadd.s32 $0xFFFFE000  }
0x3e: {  	[tilespmem:s16], [sflag:$0x1] =	stream.indirect.gather [spmem:s3], $0x40, s26, s15, $0xb8;
	[tilespmem:$0x1D000] =	vst v63  }
0x3f: {  	_ =	swait.ge [sflag:s19], $0x2000  }
0x40: {  	[sflag:s19] =	ssyncset.done $0x0  }
.Ltmp0:
0x41: {  	s26 =	sadd.s32 $0x2880, s25;
	[sflag:s19] =	ssyncadd.s32 $0xFFFFE000;
	(pc) =	sbr.rel @p0 .LBB2_2-.Ltmp0, $4  }
0x42: {  	[spmem:s2] =	stream.indirect.scatter.add.f32 [tilespmem:s17], [sflag:$0x3], $0x40, s26, s15, $0xb8;
	[tilespmem:$0x1D000] =	vst v63  }
0x43: {  	_ =	swait.ge [sflag:s12], $0x2000  }
0x44: {  	[sflag:s12] =	ssyncset.done $0x0  }
0x45: {  	s25 =	sadd.s32 $0x180, s25;
	[sflag:s12] =	ssyncadd.s32 $0xFFFFE000  }
0x46: {  	[tilespmem:s17], [sflag:$0x2] =	stream.indirect.gather [spmem:s3], $0x40, s25, s15, $0xb8;
	[tilespmem:$0x1D000] =	vst v63  }
0x47: {  	_ =	swait.ge [sflag:s18], $0x2000  }
0x48: {  	[sflag:s18] =	ssyncset.done $0x0  }
0x49: {  	[sflag:s18] =	ssyncadd.s32 $0xFFFFE000  }
0x4a: {  	[spmem:s2] =	stream.indirect.scatter.add.f32 [tilespmem:s16], [sflag:$0x3], $0x40, s20, s15, $0xb8;
	[tilespmem:$0x1D000] =	vst v63  }
0x4b: {  	_ =	swait.ge [sflag:s12], $0x2000  }
0x4c: {  	[sflag:s12] =	ssyncset.done $0x0  }
0x4d: {  	[sflag:s12] =	ssyncadd.s32 $0xFFFFE000  }
0x4e: {  	_ =	swait.ge [sflag:s19], $0x2000  }
0x4f: {  	[sflag:s19] =	ssyncset.done $0x0  }
0x50: {  	[sflag:s19] =	ssyncadd.s32 $0xFFFFE000  }
0x51: {  	[spmem:s2] =	stream.indirect.scatter.add.f32 [tilespmem:s17], [sflag:$0x3], $0x40, s21, s15, $0xb8;
	[tilespmem:$0x1D000] =	vst v63  }
0x52: {  	_ =	swait.ge [sflag:s12], $0x2000  }
0x53: {  	s23 =	sadd.s32 $0x1, s23;
	[sflag:s12] =	ssyncset.done $0x0  }
0x54: {  	p0 =	sne.s32 s23, s10;
	[sflag:s12] =	ssyncadd.s32 $0xFFFFE000  }
.Ltmp1:
0x55: {  	[bflag:$0x0] =	sbarrier.arrive $0xFFFF;
	(pc) =	sbr.rel @p0 .LBB2_1-.Ltmp1, $4  }
0x56: {  	[hbm:s22], [sflag:s6] =	dma.local [spmem:s11], $0x1400  }
0x57: {  	_ =	swait.ge [sflag:s12], $0x1400  }
0x58: {  	[sflag:s12] =	ssyncset.done $0x0  }
0x59: {  	[sflag:s12] =	ssyncadd.s32 $0xFFFFEC00  }
0x5a: {  	_ =	sfence.sel $0x180000  }
0x5b: {  	[bflag:$0x0] =	sbarrier.arrive $0xFFFF  }
0x5c: {  	p0 =	sne.s32 s0, $0x0;
	_ =	strace $0x9000004A  }
0x5d: {  	s0 =	sadd.s32 @!p0 $0x100000, s1;
	[bflag:$0x2] =	sbarrier.arrive $0xFFFF  }
0x5e: {  	[sflag:s0] =	ssyncadd.tile.s32 @!p0 $0x1;
	_ =	shalt  }
.Lfunc_end2:
_tile_overlayer_lowered:
.L_overlay_start_2:
0x5f: {  	(tag) =	ssettag $0x2  }
0x60: {  	s0 =	rddreg [dreg:$0x0];
	s2 =	stileid.u32  }
0x61: {  	s1 =	rddreg [dreg:$0x1];
	p0 =	sne.s32 s2, $0x0  }
0x62: {  	s3 =	rddreg [dreg:$0x2];
	[bflag:$0x3] =	sbarrier.arrive $0xFFFF;
	s2 =	simm.s32 @!p0 $0x1C03  }
0x63: {  	[timem:s3], [sflag:s2] =	dma.local @!p0 [hbm:s0], s1  }
0x64: {  	s0 =	simm.s32 @!p0 $0x3  }
0x65: {  	_ =	swait.ge @!p0 [sflag:s0], s1  }
0x66: {  	s1 =	ssub.s32 @!p0 $0x0, s1;
	[sflag:s0] =	ssyncset.done @!p0 $0x0  }
0x67: {  	[sflag:s0] =	ssyncadd.s32 @!p0 s1  }
0x68: {  	[bflag:$0x3] =	sbarrier.arrive $0xFFFF  }
0x69: {  	_ =	shalt  }

</sc_bundles>
